<compile_context>
chip_gen: v7x
topology: tpu7x:2x2x1
jax: 0.10.2.dev20260603
libtpu: 0.0.44.dev20260713+nightly
codegen_flags: <defaults>
</compile_context>

<pallas_src>
import functools

import jax
import jax.numpy as jnp
from jax import lax
from jax.experimental import pallas as pl
from jax.experimental.pallas import tpu as pltpu
from jax.experimental.pallas import tpu_sc as plsc

_N = 10000
_E = 320000
_MUL = 32
_EDGE_DIM = 12

_NC = 2
_NS = 16
_NW = _NC * _NS
_EPW = _E // _NW
_B = 40
_NB = _EPW // _B
_RPT = 624
_RTAIL = _N - _NS * _RPT

_INV_SQRT_MUL = 1.0 / (32.0 ** 0.5)
_INV_SQRT_EDGE = 1.0 / (12.0 ** 0.5)
_SQRT3 = 3.0 ** 0.5


def _node_linear_body(nf_ref, w_ref, x_ref):
    x_ref[...] = jnp.dot(nf_ref[...], w_ref[...],
                         preferred_element_type=jnp.float32) * _INV_SQRT_MUL


def _node_linear(nf, w_nl0):
    return pl.pallas_call(
        _node_linear_body,
        out_shape=jax.ShapeDtypeStruct((_N, _MUL), jnp.float32),
    )(nf, w_nl0)


_BE = 2560


def _edge_prep_body(embt_ref, vect_ref, wfc4_ref, ew_ref):
    vt = vect_ref[...]
    n2 = jnp.sum(vt * vt, axis=0, keepdims=True)
    s = _SQRT3 / (jnp.sqrt(n2) + 1e-12)
    y4 = jnp.concatenate([jnp.ones_like(s), vt * s], axis=0)
    dn = (((0,), (0,)), ((), ()))
    w128 = lax.dot_general(embt_ref[...], wfc4_ref[...], dn,
                           preferred_element_type=jnp.float32)
    row = lax.broadcasted_iota(jnp.int32, (4, 4 * _MUL), 0)
    col = lax.broadcasted_iota(jnp.int32, (4, 4 * _MUL), 1)
    sel4 = (col // _MUL == row).astype(jnp.float32)
    ybc = lax.dot_general(y4, sel4, dn,
                          preferred_element_type=jnp.float32)
    ew_ref[...] = w128 * ybc


def _edge_prep(embt, vect, wfc4):
    grid = _E // _BE
    return pl.pallas_call(
        _edge_prep_body,
        grid=(grid,),
        in_specs=[
            pl.BlockSpec((_EDGE_DIM, _BE), lambda i: (0, i)),
            pl.BlockSpec((3, _BE), lambda i: (0, i)),
            pl.BlockSpec((_EDGE_DIM, 4 * _MUL), lambda i: (0, 0)),
        ],
        out_specs=pl.BlockSpec((_BE, 4 * _MUL), lambda i: (i, 0)),
        out_shape=jax.ShapeDtypeStruct((_E, 4 * _MUL), jnp.float32),
    )(embt, vect, wfc4)


def _sc_body(x_hbm, ew_hbm, src_hbm, dst_hbm, z_hbm, out_hbm,
             srci, dsti, xd, ewv, pay, acc,
             sem_in0, sem_in1, sem_sc0, sem_sc1):
    cid = lax.axis_index("c")
    sid = lax.axis_index("s")
    wid = cid * _NS + sid
    row0 = wid * _NB

    sem_in = [sem_in0, sem_in1]
    sem_sc = [sem_sc0, sem_sc1]

    pltpu.sync_copy(src_hbm.at[pl.ds(row0, _NB)], srci)
    pltpu.sync_copy(dst_hbm.at[pl.ds(row0, _NB)], dsti)

    pltpu.sync_copy(z_hbm, acc.at[pl.ds(sid * _RPT, _RPT)])

    @pl.when(sid == 0)
    def _zero_tail():
        pltpu.sync_copy(z_hbm.at[pl.ds(0, _RTAIL)],
                        acc.at[pl.ds(_NS * _RPT, _RTAIL)])

    plsc.subcore_barrier()

    def start_in(i, s):
        pltpu.async_copy(x_hbm.at[dsti.at[i]], xd.at[s], sem_in[s])
        pltpu.async_copy(ew_hbm.at[pl.ds((row0 + i) * _B, _B)], ewv.at[s],
                         sem_in[s])

    def wait_in(i, s):
        pltpu.make_async_copy(x_hbm.at[dsti.at[i]], xd.at[s],
                              sem_in[s]).wait()
        pltpu.make_async_copy(ew_hbm.at[pl.ds((row0 + i) * _B, _B)],
                              ewv.at[s], sem_in[s]).wait()

    def start_scatter(i, s):
        pltpu.async_copy(pay.at[s], acc.at[srci.at[i]], sem_sc[s], add=True)

    def wait_scatter(i, s):
        pltpu.make_async_copy(pay.at[s], acc.at[srci.at[i]],
                              sem_sc[s]).wait()

    def compute(i, s):
        def body(b, carry):
            x0 = xd[s, b, pl.ds(0, 16)]
            x1 = xd[s, b, pl.ds(16, 16)]
            for kk in range(8):
                xk = x0 if kk % 2 == 0 else x1
                pay[s, b, pl.ds(16 * kk, 16)] = (
                    xk * ewv[s, b, pl.ds(16 * kk, 16)])
            return carry

        lax.fori_loop(0, _B, body, 0)

    def pair_work(i, first_pred, prefetch):
        start_in(i + 1, 1)
        wait_in(i, 0)
        if first_pred is None:
            wait_scatter(i - 2, 0)
        else:
            @pl.when(jnp.logical_not(first_pred))
            def _ws0():
                wait_scatter(i - 2, 0)
        compute(i, 0)
        start_scatter(i, 0)
        if prefetch:
            start_in(i + 2, 0)
        wait_in(i + 1, 1)
        if first_pred is None:
            wait_scatter(i - 1, 1)
        else:
            @pl.when(jnp.logical_not(first_pred))
            def _ws1():
                wait_scatter(i - 1, 1)
        compute(i + 1, 1)
        start_scatter(i + 1, 1)

    start_in(0, 0)

    def pair(p, carry):
        pair_work(2 * p, p == 0, True)
        return carry

    lax.fori_loop(0, _NB // 2 - 1, pair, 0)
    pair_work(_NB - 2, None, False)
    wait_scatter(_NB - 2, 0)
    wait_scatter(_NB - 1, 1)

    plsc.subcore_barrier()
    pltpu.sync_copy(acc.at[pl.ds(sid * _RPT, _RPT)],
                    out_hbm.at[cid, pl.ds(sid * _RPT, _RPT)])

    @pl.when(sid == 0)
    def _drain_tail():
        pltpu.sync_copy(acc.at[pl.ds(_NS * _RPT, _RTAIL)],
                        out_hbm.at[cid, pl.ds(_NS * _RPT, _RTAIL)])


def _sc_scatter(x, ew, src2d, dst2d, zeros):
    mesh = plsc.VectorSubcoreMesh(core_axis_name="c", subcore_axis_name="s")
    f = functools.partial(
        pl.kernel,
        out_type=jax.ShapeDtypeStruct((_NC, _N, 4 * _MUL), jnp.float32),
        mesh=mesh,
        compiler_params=pltpu.CompilerParams(use_tc_tiling_on_sc=False),
        scratch_types=[
            pltpu.VMEM((_NB, _B), jnp.int32),
            pltpu.VMEM((_NB, _B), jnp.int32),
            pltpu.VMEM((2, _B, _MUL), jnp.float32),
            pltpu.VMEM((2, _B, 4 * _MUL), jnp.float32),
            pltpu.VMEM((2, _B, 4 * _MUL), jnp.float32),
            pltpu.VMEM_SHARED((_N, 4 * _MUL), jnp.float32),
            pltpu.SemaphoreType.DMA,
            pltpu.SemaphoreType.DMA,
            pltpu.SemaphoreType.DMA,
            pltpu.SemaphoreType.DMA,
        ],
    )(_sc_body)
    return f(x, ew, src2d, dst2d, zeros)


_BN = 2000


def _finish_body(parts_ref, nf_ref, wskip_ref, wnl20_ref, wnl21_ref,
                 outs_ref, outv_ref):
    a = parts_ref[0] + parts_ref[1]
    s = a[:, :_MUL]
    g0 = jnp.dot(s, wnl20_ref[...],
                 preferred_element_type=jnp.float32) * _INV_SQRT_MUL
    skip = jnp.dot(nf_ref[...], wskip_ref[...],
                   preferred_element_type=jnp.float32) * _INV_SQRT_MUL
    gs = g0 + skip
    outs_ref[...] = jax.nn.silu(gs[:, :32])
    gates = jax.nn.sigmoid(gs[:, 32:48])
    row = lax.broadcasted_iota(jnp.int32, (16, 48), 0)
    col = lax.broadcasted_iota(jnp.int32, (16, 48), 1)
    acc48 = jnp.zeros((a.shape[0], 48), jnp.float32)
    for c in range(3):
        g1c = jnp.dot(a[:, _MUL * (c + 1):_MUL * (c + 2)], wnl21_ref[...],
                      preferred_element_type=jnp.float32) * _INV_SQRT_MUL
        sel = (col == 3 * row + c).astype(jnp.float32)
        acc48 = acc48 + jnp.dot(g1c * gates, sel,
                                preferred_element_type=jnp.float32)
    outv_ref[...] = acc48


def _finish(parts, nf, w_skip0, w_nl2_0, w_nl2_1):
    grid = _N // _BN
    return pl.pallas_call(
        _finish_body,
        grid=(grid,),
        in_specs=[
            pl.BlockSpec((_NC, _BN, 4 * _MUL), lambda i: (0, i, 0)),
            pl.BlockSpec((_BN, _MUL), lambda i: (i, 0)),
            pl.BlockSpec((_MUL, 48), lambda i: (0, 0)),
            pl.BlockSpec((_MUL, 48), lambda i: (0, 0)),
            pl.BlockSpec((_MUL, 16), lambda i: (0, 0)),
        ],
        out_specs=[
            pl.BlockSpec((_BN, 32), lambda i: (i, 0)),
            pl.BlockSpec((_BN, 48), lambda i: (i, 0)),
        ],
        out_shape=[
            jax.ShapeDtypeStruct((_N, 32), jnp.float32),
            jax.ShapeDtypeStruct((_N, 48), jnp.float32),
        ],
    )(parts, nf, w_skip0, w_nl2_0, w_nl2_1)


def kernel(node_feature, edge_index, edge_vec, edge_embedding,
           W_fc, W_nl0, W_skip0, W_nl2_0, W_nl2_1):
    x = _node_linear(node_feature, W_nl0)
    wfc0 = W_fc[:, :_MUL] * _INV_SQRT_EDGE
    wfc1 = W_fc[:, _MUL:2 * _MUL] * _INV_SQRT_EDGE
    wfc4 = jnp.concatenate([wfc0, wfc1, wfc1, wfc1], axis=1)
    ew = _edge_prep(edge_embedding.T, edge_vec.T, wfc4)
    src2d = edge_index[0].reshape(_E // _B, _B)
    dst2d = edge_index[1].reshape(_E // _B, _B)
    zeros = jnp.zeros((_RPT, 4 * _MUL), jnp.float32)
    parts = _sc_scatter(x, ew, src2d, dst2d, zeros)
    outs, outv = _finish(parts, node_feature, W_skip0, W_nl2_0, W_nl2_1)
    return jnp.concatenate([outs, outv], axis=1)

# --- scband reference (transcript-rebuilt; emitter-appended) ---
"""Pipeline reference for scband-e-comf-equivariant-conv-layer-32366873542776 (READ-ONLY COPY).

The authoritative reference and input builder live on the scoring server;
editing this copy changes nothing except your own understanding.
"""

import jax, jax.numpy as jnp
import numpy as np

N = 10000
E = 320000
MUL = 32
EDGE_DIM = 12
DENOM = 1.0


def _spherical_harmonics(u):
    # component-normalized real spherical harmonics, l=1 and l=2, on unit vectors u [E,3]
    x, y, z = u[:, 0], u[:, 1], u[:, 2]
    y1 = jnp.sqrt(3.0) * u
    c15 = jnp.sqrt(15.0)
    c5 = jnp.sqrt(5.0)
    y2 = jnp.stack([
        c15 * x * y,
        c15 * y * z,
        0.5 * c5 * (3.0 * z * z - 1.0),
        c15 * x * z,
        0.5 * c15 * (x * x - y * y),
    ], axis=-1)
    return y1, y2


def setup_inputs(seed: int = 0) -> dict:
    key = jax.random.key(seed)
    ks = jax.random.split(key, 10)
    node_feature = jax.random.normal(ks[0], (N, MUL), dtype=jnp.float32)
    edge_index = jax.random.randint(ks[1], (2, E), 0, N, dtype=jnp.int32)
    edge_vec = jax.random.normal(ks[2], (E, 3), dtype=jnp.float32)
    edge_embedding = jax.random.normal(ks[3], (E, EDGE_DIM), dtype=jnp.float32)
    # learned parameters
    W_fc = jax.random.normal(ks[4], (EDGE_DIM, 3 * MUL), dtype=jnp.float32)      # FullyConnectedNet([12, weight_numel=96])
    W_nl0 = jax.random.normal(ks[5], (MUL, MUL), dtype=jnp.float32)              # node_linear: 32x0e -> 32x0e
    W_skip0 = jax.random.normal(ks[6], (MUL, 48), dtype=jnp.float32)             # skip_linear: 32x0e -> 48x0e (scalars+gates); 1e part has no path -> zeros
    W_nl2_0 = jax.random.normal(ks[7], (MUL, 48), dtype=jnp.float32)             # node_linear_2 l=0: 32x0e -> 48x0e
    W_nl2_1 = jax.random.normal(ks[8], (MUL, 16), dtype=jnp.float32)             # node_linear_2 l=1: 32x1e -> 16x1e (2e dropped)
    return {
        'node_feature': node_feature,
        'edge_index': edge_index,
        'edge_vec': edge_vec,
        'edge_embedding': edge_embedding,
        'W_fc': W_fc,
        'W_nl0': W_nl0,
        'W_skip0': W_skip0,
        'W_nl2_0': W_nl2_0,
        'W_nl2_1': W_nl2_1,
    }


def reference(node_feature, edge_index, edge_vec, edge_embedding, W_fc, W_nl0, W_skip0, W_nl2_0, W_nl2_1):
    n = node_feature.shape[0]
    inv_sqrt_mul = 1.0 / jnp.sqrt(jnp.asarray(MUL, jnp.float32))
    inv_sqrt_edge = 1.0 / jnp.sqrt(jnp.asarray(EDGE_DIM, jnp.float32))
    # skip_linear (e3nn Linear, fan-in normalized); 1e output has no input path -> implicit zeros
    skip0 = (node_feature @ W_skip0) * inv_sqrt_mul                      # [N,48]
    # node_linear
    x = (node_feature @ W_nl0) * inv_sqrt_mul                            # [N,32]
    # spherical harmonics of edge vectors (normalize=True, normalization='component')
    u = edge_vec / (jnp.linalg.norm(edge_vec, axis=-1, keepdims=True) + 1e-12)
    y1, y2 = _spherical_harmonics(u)                                     # [E,3], [E,5]
    # per-edge tensor-product weights from FC on edge features
    w = (edge_embedding @ W_fc) * inv_sqrt_edge                          # [E,96]
    w0, w1, w2 = w[:, :MUL], w[:, MUL:2 * MUL], w[:, 2 * MUL:]
    src = edge_index[0]
    dst = edge_index[1]
    xd = x[dst]                                                          # gather [E,32]
    # uvu tensor product: 32x0e x (1x0e+1x1e+1x2e) -> 32x0e+32x1e+32x2e
    t0 = xd * w0                                                         # [E,32]
    t1 = (xd * w1)[:, :, None] * y1[:, None, :]                          # [E,32,3]
    t2 = (xd * w2)[:, :, None] * y2[:, None, :]                          # [E,32,5]
    tp = jnp.concatenate([t0, t1.reshape(-1, MUL * 3), t2.reshape(-1, MUL * 5)], axis=-1)  # [E,288]
    # scatter-sum into destination (edge_src) nodes, divide by denominator
    agg = jax.ops.segment_sum(tp, src, num_segments=n) / DENOM           # [N,288]
    # dropout p=0.0 on l0 indices -> identity
    # node_linear_2: per-l linear, 2e channel dropped
    s = agg[:, :MUL]
    v1 = agg[:, MUL:MUL * 4].reshape(n, MUL, 3)
    g0 = (s @ W_nl2_0) * inv_sqrt_mul                                    # [N,48]
    g1 = jnp.einsum('nuc,uv->nvc', v1, W_nl2_1) * inv_sqrt_mul           # [N,16,3]
    # residual skip connection
    gate_scalar_in = g0 + skip0                                          # [N,48]
    gate_vec_in = g1.reshape(n, 48)                                      # skip has no 1e path -> +0
    # equivariant gate: 32 scalars (silu) + 16 gates (sigmoid) gating 16x1e
    scalars = jax.nn.silu(gate_scalar_in[:, :32])
    gates = jax.nn.sigmoid(gate_scalar_in[:, 32:48])
    vec = gate_vec_in.reshape(n, 16, 3) * gates[:, :, None]
    return jnp.concatenate([scalars, vec.reshape(n, 48)], axis=-1)       # [N,80]

if __name__ == "__main__":
    import jax
    _d = setup_inputs()
    print(jax.jit(kernel)(*tuple(_d.values())))

</pallas_src>

<mosaic_0001>
#map = affine_map<(d0, d1) -> (0, 0)>
#map1 = affine_map<(d0, d1) -> (0, 0, 0)>
module attributes {stable_mosaic.version = 14 : i64} {
  func.func @_sc_body(%arg0: i32, %arg1: i32, %arg2: memref<10000x32xf32, #tpu.memory_space<hbm>>, %arg3: memref<320000x128xf32, #tpu.memory_space<hbm>>, %arg4: memref<8000x40xi32, #tpu.memory_space<hbm>>, %arg5: memref<8000x40xi32, #tpu.memory_space<hbm>>, %arg6: memref<624x128xf32, #tpu.memory_space<hbm>>, %arg7: memref<2x10000x128xf32, #tpu.memory_space<hbm>>, %arg8: memref<250x40xi32, #tpu.memory_space<vmem>>, %arg9: memref<250x40xi32, #tpu.memory_space<vmem>>, %arg10: memref<2x40x32xf32, #tpu.memory_space<vmem>>, %arg11: memref<2x40x128xf32, #tpu.memory_space<vmem>>, %arg12: memref<2x40x128xf32, #tpu.memory_space<vmem>>, %arg13: memref<10000x128xf32, #tpu.memory_space<vmem_shared>>, %arg14: memref<!tpu.dma_semaphore, #tpu.memory_space<semaphore_mem>>, %arg15: memref<!tpu.dma_semaphore, #tpu.memory_space<semaphore_mem>>, %arg16: memref<!tpu.dma_semaphore, #tpu.memory_space<semaphore_mem>>, %arg17: memref<!tpu.dma_semaphore, #tpu.memory_space<semaphore_mem>>) attributes {dimension_semantics = [#tpu.dimension_semantics<core_parallel>, #tpu.dimension_semantics<subcore_parallel>], iteration_bounds = array<i64: 2, 16>, scalar_prefetch = 0 : i64, scratch_operands = 10 : i64, tpu.core_type = #tpu.core_type<sc_vector_subcore>, window_params = [{transform_indices = #map}, {transform_indices = #map}, {transform_indices = #map}, {transform_indices = #map}, {transform_indices = #map}, {transform_indices = #map1}]} {
    %mul3A = arith.constant 16 : i32
    %mul3A_0 = arith.muli %arg0, %mul3A : i32
    %add3A = arith.addi %mul3A_0, %arg1 : i32
    %mul3A_1 = arith.constant 250 : i32
    %mul3A_2 = arith.muli %add3A, %mul3A_1 : i32
    "tpu.region"() ({
      %run_scoped3A = tpu.sem_alloc : memref<!tpu.dma_semaphore, #tpu.memory_space<semaphore_mem>>
      %dma_start3A_220 = arith.constant 0 : i32
      %dma_start3A_221 = tpu.memref_slice %arg4[%mul3A_2, %dma_start3A_220] : memref<8000x40xi32, #tpu.memory_space<hbm>> -> memref<250x40xi32, #tpu.memory_space<hbm>>
      %dma_start3A_222 = arith.constant 0 : i32
      %dma_start3A_223 = tpu.memref_slice %arg4[%mul3A_2, %dma_start3A_222] : memref<8000x40xi32, #tpu.memory_space<hbm>> -> memref<250x40xi32, #tpu.memory_space<hbm>>
      tpu.enqueue_dma source(%dma_start3A_223 : memref<250x40xi32, #tpu.memory_space<hbm>>) target(%arg8 : memref<250x40xi32, #tpu.memory_space<vmem>>) target_semaphore(%run_scoped3A : memref<!tpu.dma_semaphore, #tpu.memory_space<semaphore_mem>>)
      %dma_wait3A_224 = arith.constant 0 : i32
      %dma_wait3A_225 = tpu.memref_slice %arg4[%mul3A_2, %dma_wait3A_224] : memref<8000x40xi32, #tpu.memory_space<hbm>> -> memref<250x40xi32, #tpu.memory_space<hbm>>
      %dma_wait3A_226 = arith.constant 0 : i32
      %dma_wait3A_227 = tpu.memref_slice %arg4[%mul3A_2, %dma_wait3A_226] : memref<8000x40xi32, #tpu.memory_space<hbm>> -> memref<250x40xi32, #tpu.memory_space<hbm>>
      tpu.wait_dma2 semaphore(%run_scoped3A : memref<!tpu.dma_semaphore, #tpu.memory_space<semaphore_mem>>) src(%dma_wait3A_227 : memref<250x40xi32, #tpu.memory_space<hbm>>) dst(%arg8 : memref<250x40xi32, #tpu.memory_space<vmem>>)
      tpu.yield
    }) : () -> ()
    "tpu.region"() ({
      %run_scoped3A = tpu.sem_alloc : memref<!tpu.dma_semaphore, #tpu.memory_space<semaphore_mem>>
      %dma_start3A_220 = arith.constant 0 : i32
      %dma_start3A_221 = tpu.memref_slice %arg5[%mul3A_2, %dma_start3A_220] : memref<8000x40xi32, #tpu.memory_space<hbm>> -> memref<250x40xi32, #tpu.memory_space<hbm>>
      %dma_start3A_222 = arith.constant 0 : i32
      %dma_start3A_223 = tpu.memref_slice %arg5[%mul3A_2, %dma_start3A_222] : memref<8000x40xi32, #tpu.memory_space<hbm>> -> memref<250x40xi32, #tpu.memory_space<hbm>>
      tpu.enqueue_dma source(%dma_start3A_223 : memref<250x40xi32, #tpu.memory_space<hbm>>) target(%arg9 : memref<250x40xi32, #tpu.memory_space<vmem>>) target_semaphore(%run_scoped3A : memref<!tpu.dma_semaphore, #tpu.memory_space<semaphore_mem>>)
      %dma_wait3A_224 = arith.constant 0 : i32
      %dma_wait3A_225 = tpu.memref_slice %arg5[%mul3A_2, %dma_wait3A_224] : memref<8000x40xi32, #tpu.memory_space<hbm>> -> memref<250x40xi32, #tpu.memory_space<hbm>>
      %dma_wait3A_226 = arith.constant 0 : i32
      %dma_wait3A_227 = tpu.memref_slice %arg5[%mul3A_2, %dma_wait3A_226] : memref<8000x40xi32, #tpu.memory_space<hbm>> -> memref<250x40xi32, #tpu.memory_space<hbm>>
      tpu.wait_dma2 semaphore(%run_scoped3A : memref<!tpu.dma_semaphore, #tpu.memory_space<semaphore_mem>>) src(%dma_wait3A_227 : memref<250x40xi32, #tpu.memory_space<hbm>>) dst(%arg9 : memref<250x40xi32, #tpu.memory_space<vmem>>)
      tpu.yield
    }) : () -> ()
    %mul3A_3 = arith.constant 624 : i32
    %mul3A_4 = arith.muli %arg1, %mul3A_3 : i32
    "tpu.region"() ({
      %run_scoped3A = tpu.sem_alloc : memref<!tpu.dma_semaphore, #tpu.memory_space<semaphore_mem>>
      %dma_start3A_220 = arith.constant 0 : i32
      %dma_start3A_221 = tpu.memref_slice %arg13[%mul3A_4, %dma_start3A_220] : memref<10000x128xf32, #tpu.memory_space<vmem_shared>> -> memref<624x128xf32, #tpu.memory_space<vmem_shared>>
      tpu.enqueue_dma source(%arg6 : memref<624x128xf32, #tpu.memory_space<hbm>>) target(%dma_start3A_221 : memref<624x128xf32, #tpu.memory_space<vmem_shared>>) target_semaphore(%run_scoped3A : memref<!tpu.dma_semaphore, #tpu.memory_space<semaphore_mem>>)
      %dma_wait3A_222 = arith.constant 0 : i32
      %dma_wait3A_223 = tpu.memref_slice %arg13[%mul3A_4, %dma_wait3A_222] : memref<10000x128xf32, #tpu.memory_space<vmem_shared>> -> memref<624x128xf32, #tpu.memory_space<vmem_shared>>
      tpu.wait_dma2 semaphore(%run_scoped3A : memref<!tpu.dma_semaphore, #tpu.memory_space<semaphore_mem>>) src(%arg6 : memref<624x128xf32, #tpu.memory_space<hbm>>) dst(%dma_wait3A_223 : memref<624x128xf32, #tpu.memory_space<vmem_shared>>)
      tpu.yield
    }) : () -> ()
    %eq3A = arith.constant 0 : i32
    %eq3A_5 = arith.cmpi eq, %arg1, %eq3A : i32
    %convert_element_type3A = arith.extui %eq3A_5 : i1 to i32
    %cond3A = arith.constant 0 : i32
    %cond3A_6 = arith.cmpi ne, %convert_element_type3A, %cond3A : i32
    scf.if %cond3A_6 {
      "tpu.region"() ({
        %run_scoped3A = tpu.sem_alloc : memref<!tpu.dma_semaphore, #tpu.memory_space<semaphore_mem>>
        %dma_start3A_220 = arith.constant 9984 : i32
        %dma_start3A_221 = arith.constant 0 : i32
        %dma_start3A_222 = tpu.memref_slice %arg13[%dma_start3A_220, %dma_start3A_221] : memref<10000x128xf32, #tpu.memory_space<vmem_shared>> -> memref<16x128xf32, #tpu.memory_space<vmem_shared>>
        %dma_start3A_223 = arith.constant 0 : i32
        %dma_start3A_224 = arith.constant 0 : i32
        %dma_start3A_225 = tpu.memref_slice %arg6[%dma_start3A_223, %dma_start3A_224] : memref<624x128xf32, #tpu.memory_space<hbm>> -> memref<16x128xf32, #tpu.memory_space<hbm>>
        tpu.enqueue_dma source(%dma_start3A_225 : memref<16x128xf32, #tpu.memory_space<hbm>>) target(%dma_start3A_222 : memref<16x128xf32, #tpu.memory_space<vmem_shared>>) target_semaphore(%run_scoped3A : memref<!tpu.dma_semaphore, #tpu.memory_space<semaphore_mem>>)
        %dma_wait3A_226 = arith.constant 9984 : i32
        %dma_wait3A_227 = arith.constant 0 : i32
        %dma_wait3A_228 = tpu.memref_slice %arg13[%dma_wait3A_226, %dma_wait3A_227] : memref<10000x128xf32, #tpu.memory_space<vmem_shared>> -> memref<16x128xf32, #tpu.memory_space<vmem_shared>>
        %dma_wait3A_229 = arith.constant 0 : i32
        %dma_wait3A_230 = arith.constant 0 : i32
        %dma_wait3A_231 = tpu.memref_slice %arg6[%dma_wait3A_229, %dma_wait3A_230] : memref<624x128xf32, #tpu.memory_space<hbm>> -> memref<16x128xf32, #tpu.memory_space<hbm>>
        tpu.wait_dma2 semaphore(%run_scoped3A : memref<!tpu.dma_semaphore, #tpu.memory_space<semaphore_mem>>) src(%dma_wait3A_231 : memref<16x128xf32, #tpu.memory_space<hbm>>) dst(%dma_wait3A_228 : memref<16x128xf32, #tpu.memory_space<vmem_shared>>)
        tpu.yield
      }) : () -> ()
    } else {
    }
    %barrier3A = arith.constant 0 : index
    tpu.barrier barrier_id(%barrier3A)
    %dma_start3A = arith.constant 0 : i32
    %dma_start3A_7 = arith.constant 0 : i32
    %dma_start3A_8 = arith.constant 0 : i32
    %dma_start3A_9 = arith.constant 0 : i32
    %dma_start3A_10 = tpu.memref_slice %arg10[%dma_start3A_7, %dma_start3A_8, %dma_start3A_9] : memref<2x40x32xf32, #tpu.memory_space<vmem>> -> memref<1x40x32xf32, #tpu.memory_space<vmem>>
    %dma_start3A_11 = tpu.memref_squeeze %dma_start3A_10 : memref<1x40x32xf32, #tpu.memory_space<vmem>> -> memref<40x32xf32, #tpu.memory_space<vmem>>
    %dma_start3A_12 = arith.constant 0 : i32
    %dma_start3A_13 = tpu.memref_slice %arg9[%dma_start3A, %dma_start3A_12] : memref<250x40xi32, #tpu.memory_space<vmem>> -> memref<1x40xi32, #tpu.memory_space<vmem>>
    %dma_start3A_14 = tpu.memref_squeeze %dma_start3A_13 : memref<1x40xi32, #tpu.memory_space<vmem>> -> memref<40xi32, #tpu.memory_space<vmem>>
    %dma_start3A_15 = arith.constant 0 : i32
    %dma_start3A_16 = arith.constant 0 : i32
    %dma_start3A_17 = tpu.memref_slice %arg2[%dma_start3A_15, %dma_start3A_16] : memref<10000x32xf32, #tpu.memory_space<hbm>> -> memref<10000x32xf32, #tpu.memory_space<hbm>>
    tpu.enqueue_indirect_dma source(%dma_start3A_17 : memref<10000x32xf32, #tpu.memory_space<hbm>>) target(%dma_start3A_11 : memref<40x32xf32, #tpu.memory_space<vmem>>) offsets(%dma_start3A_14 : memref<40xi32, #tpu.memory_space<vmem>>) semaphore(%arg14 : memref<!tpu.dma_semaphore, #tpu.memory_space<semaphore_mem>>)
    %add3A_18 = arith.constant 0 : i32
    %add3A_19 = arith.addi %mul3A_2, %add3A_18 : i32
    %mul3A_20 = arith.constant 40 : i32
    %mul3A_21 = arith.muli %add3A_19, %mul3A_20 : i32
    %dma_start3A_22 = arith.constant 0 : i32
    %dma_start3A_23 = arith.constant 0 : i32
    %dma_start3A_24 = arith.constant 0 : i32
    %dma_start3A_25 = tpu.memref_slice %arg11[%dma_start3A_22, %dma_start3A_23, %dma_start3A_24] : memref<2x40x128xf32, #tpu.memory_space<vmem>> -> memref<1x40x128xf32, #tpu.memory_space<vmem>>
    %dma_start3A_26 = tpu.memref_squeeze %dma_start3A_25 : memref<1x40x128xf32, #tpu.memory_space<vmem>> -> memref<40x128xf32, #tpu.memory_space<vmem>>
    %dma_start3A_27 = arith.constant 0 : i32
    %dma_start3A_28 = tpu.memref_slice %arg3[%mul3A_21, %dma_start3A_27] : memref<320000x128xf32, #tpu.memory_space<hbm>> -> memref<40x128xf32, #tpu.memory_space<hbm>>
    %dma_start3A_29 = arith.constant 0 : i32
    %dma_start3A_30 = arith.constant 0 : i32
    %dma_start3A_31 = tpu.memref_slice %arg11[%dma_start3A_22, %dma_start3A_29, %dma_start3A_30] : memref<2x40x128xf32, #tpu.memory_space<vmem>> -> memref<1x40x128xf32, #tpu.memory_space<vmem>>
    %dma_start3A_32 = tpu.memref_squeeze %dma_start3A_31 : memref<1x40x128xf32, #tpu.memory_space<vmem>> -> memref<40x128xf32, #tpu.memory_space<vmem>>
    %dma_start3A_33 = arith.constant 0 : i32
    %dma_start3A_34 = tpu.memref_slice %arg3[%mul3A_21, %dma_start3A_33] : memref<320000x128xf32, #tpu.memory_space<hbm>> -> memref<40x128xf32, #tpu.memory_space<hbm>>
    tpu.enqueue_dma source(%dma_start3A_34 : memref<40x128xf32, #tpu.memory_space<hbm>>) target(%dma_start3A_32 : memref<40x128xf32, #tpu.memory_space<vmem>>) target_semaphore(%arg14 : memref<!tpu.dma_semaphore, #tpu.memory_space<semaphore_mem>>)
    %scan3A = arith.constant 0 : i32
    %scan3A_35 = arith.constant 0 : i32
    %scan3A_36 = arith.constant 124 : i32
    %scan3A_37 = arith.addi %scan3A_35, %scan3A_36 : i32
    %scan3A_38 = arith.constant 1 : i32
    scf.for %scan3A_220 = %scan3A_35 to %scan3A_37 step %scan3A_38  : i32 {
      %mul3A_221 = arith.constant 2 : i32
      %mul3A_222 = arith.muli %mul3A_221, %scan3A_220 : i32
      %eq3A_223 = arith.constant 0 : i32
      %eq3A_224 = arith.cmpi eq, %scan3A_220, %eq3A_223 : i32
      %add3A_225 = arith.constant 1 : i32
      %add3A_226 = arith.addi %mul3A_222, %add3A_225 : i32
      %dma_start3A_227 = arith.constant 1 : i32
      %dma_start3A_228 = arith.constant 0 : i32
      %dma_start3A_229 = arith.constant 0 : i32
      %dma_start3A_230 = tpu.memref_slice %arg10[%dma_start3A_227, %dma_start3A_228, %dma_start3A_229] : memref<2x40x32xf32, #tpu.memory_space<vmem>> -> memref<1x40x32xf32, #tpu.memory_space<vmem>>
      %dma_start3A_231 = tpu.memref_squeeze %dma_start3A_230 : memref<1x40x32xf32, #tpu.memory_space<vmem>> -> memref<40x32xf32, #tpu.memory_space<vmem>>
      %dma_start3A_232 = arith.constant 0 : i32
      %dma_start3A_233 = tpu.memref_slice %arg9[%add3A_226, %dma_start3A_232] : memref<250x40xi32, #tpu.memory_space<vmem>> -> memref<1x40xi32, #tpu.memory_space<vmem>>
      %dma_start3A_234 = tpu.memref_squeeze %dma_start3A_233 : memref<1x40xi32, #tpu.memory_space<vmem>> -> memref<40xi32, #tpu.memory_space<vmem>>
      %dma_start3A_235 = arith.constant 0 : i32
      %dma_start3A_236 = arith.constant 0 : i32
      %dma_start3A_237 = tpu.memref_slice %arg2[%dma_start3A_235, %dma_start3A_236] : memref<10000x32xf32, #tpu.memory_space<hbm>> -> memref<10000x32xf32, #tpu.memory_space<hbm>>
      tpu.enqueue_indirect_dma source(%dma_start3A_237 : memref<10000x32xf32, #tpu.memory_space<hbm>>) target(%dma_start3A_231 : memref<40x32xf32, #tpu.memory_space<vmem>>) offsets(%dma_start3A_234 : memref<40xi32, #tpu.memory_space<vmem>>) semaphore(%arg15 : memref<!tpu.dma_semaphore, #tpu.memory_space<semaphore_mem>>)
      %add3A_238 = arith.addi %mul3A_2, %add3A_226 : i32
      %mul3A_239 = arith.constant 40 : i32
      %mul3A_240 = arith.muli %add3A_238, %mul3A_239 : i32
      %dma_start3A_241 = arith.constant 1 : i32
      %dma_start3A_242 = arith.constant 0 : i32
      %dma_start3A_243 = arith.constant 0 : i32
      %dma_start3A_244 = tpu.memref_slice %arg11[%dma_start3A_241, %dma_start3A_242, %dma_start3A_243] : memref<2x40x128xf32, #tpu.memory_space<vmem>> -> memref<1x40x128xf32, #tpu.memory_space<vmem>>
      %dma_start3A_245 = tpu.memref_squeeze %dma_start3A_244 : memref<1x40x128xf32, #tpu.memory_space<vmem>> -> memref<40x128xf32, #tpu.memory_space<vmem>>
      %dma_start3A_246 = arith.constant 0 : i32
      %dma_start3A_247 = tpu.memref_slice %arg3[%mul3A_240, %dma_start3A_246] : memref<320000x128xf32, #tpu.memory_space<hbm>> -> memref<40x128xf32, #tpu.memory_space<hbm>>
      %dma_start3A_248 = arith.constant 0 : i32
      %dma_start3A_249 = arith.constant 0 : i32
      %dma_start3A_250 = tpu.memref_slice %arg11[%dma_start3A_241, %dma_start3A_248, %dma_start3A_249] : memref<2x40x128xf32, #tpu.memory_space<vmem>> -> memref<1x40x128xf32, #tpu.memory_space<vmem>>
      %dma_start3A_251 = tpu.memref_squeeze %dma_start3A_250 : memref<1x40x128xf32, #tpu.memory_space<vmem>> -> memref<40x128xf32, #tpu.memory_space<vmem>>
      %dma_start3A_252 = arith.constant 0 : i32
      %dma_start3A_253 = tpu.memref_slice %arg3[%mul3A_240, %dma_start3A_252] : memref<320000x128xf32, #tpu.memory_space<hbm>> -> memref<40x128xf32, #tpu.memory_space<hbm>>
      tpu.enqueue_dma source(%dma_start3A_253 : memref<40x128xf32, #tpu.memory_space<hbm>>) target(%dma_start3A_251 : memref<40x128xf32, #tpu.memory_space<vmem>>) target_semaphore(%arg15 : memref<!tpu.dma_semaphore, #tpu.memory_space<semaphore_mem>>)
      %dma_wait3A_254 = arith.constant 0 : i32
      %dma_wait3A_255 = arith.constant 0 : i32
      %dma_wait3A_256 = arith.constant 0 : i32
      %dma_wait3A_257 = tpu.memref_slice %arg10[%dma_wait3A_254, %dma_wait3A_255, %dma_wait3A_256] : memref<2x40x32xf32, #tpu.memory_space<vmem>> -> memref<1x40x32xf32, #tpu.memory_space<vmem>>
      %dma_wait3A_258 = tpu.memref_squeeze %dma_wait3A_257 : memref<1x40x32xf32, #tpu.memory_space<vmem>> -> memref<40x32xf32, #tpu.memory_space<vmem>>
      %dma_wait3A_259 = arith.constant 0 : i32
      %dma_wait3A_260 = tpu.memref_slice %arg9[%mul3A_222, %dma_wait3A_259] : memref<250x40xi32, #tpu.memory_space<vmem>> -> memref<1x40xi32, #tpu.memory_space<vmem>>
      %dma_wait3A_261 = tpu.memref_squeeze %dma_wait3A_260 : memref<1x40xi32, #tpu.memory_space<vmem>> -> memref<40xi32, #tpu.memory_space<vmem>>
      %dma_wait3A_262 = arith.constant 0 : i32
      %dma_wait3A_263 = arith.constant 0 : i32
      %dma_wait3A_264 = tpu.memref_slice %arg2[%dma_wait3A_262, %dma_wait3A_263] : memref<10000x32xf32, #tpu.memory_space<hbm>> -> memref<10000x32xf32, #tpu.memory_space<hbm>>
      tpu.wait_indirect_dma semaphore(%arg14 : memref<!tpu.dma_semaphore, #tpu.memory_space<semaphore_mem>>) src(%dma_wait3A_264 : memref<10000x32xf32, #tpu.memory_space<hbm>>) dst(%dma_wait3A_258 : memref<40x32xf32, #tpu.memory_space<vmem>>)
      %add3A_265 = arith.addi %mul3A_2, %mul3A_222 : i32
      %mul3A_266 = arith.constant 40 : i32
      %mul3A_267 = arith.muli %add3A_265, %mul3A_266 : i32
      %dma_wait3A_268 = arith.constant 0 : i32
      %dma_wait3A_269 = arith.constant 0 : i32
      %dma_wait3A_270 = arith.constant 0 : i32
      %dma_wait3A_271 = tpu.memref_slice %arg11[%dma_wait3A_268, %dma_wait3A_269, %dma_wait3A_270] : memref<2x40x128xf32, #tpu.memory_space<vmem>> -> memref<1x40x128xf32, #tpu.memory_space<vmem>>
      %dma_wait3A_272 = tpu.memref_squeeze %dma_wait3A_271 : memref<1x40x128xf32, #tpu.memory_space<vmem>> -> memref<40x128xf32, #tpu.memory_space<vmem>>
      %dma_wait3A_273 = arith.constant 0 : i32
      %dma_wait3A_274 = tpu.memref_slice %arg3[%mul3A_267, %dma_wait3A_273] : memref<320000x128xf32, #tpu.memory_space<hbm>> -> memref<40x128xf32, #tpu.memory_space<hbm>>
      %dma_wait3A_275 = arith.constant 0 : i32
      %dma_wait3A_276 = arith.constant 0 : i32
      %dma_wait3A_277 = tpu.memref_slice %arg11[%dma_wait3A_268, %dma_wait3A_275, %dma_wait3A_276] : memref<2x40x128xf32, #tpu.memory_space<vmem>> -> memref<1x40x128xf32, #tpu.memory_space<vmem>>
      %dma_wait3A_278 = tpu.memref_squeeze %dma_wait3A_277 : memref<1x40x128xf32, #tpu.memory_space<vmem>> -> memref<40x128xf32, #tpu.memory_space<vmem>>
      %dma_wait3A_279 = arith.constant 0 : i32
      %dma_wait3A_280 = tpu.memref_slice %arg3[%mul3A_267, %dma_wait3A_279] : memref<320000x128xf32, #tpu.memory_space<hbm>> -> memref<40x128xf32, #tpu.memory_space<hbm>>
      tpu.wait_dma2 semaphore(%arg14 : memref<!tpu.dma_semaphore, #tpu.memory_space<semaphore_mem>>) src(%dma_wait3A_280 : memref<40x128xf32, #tpu.memory_space<hbm>>) dst(%dma_wait3A_278 : memref<40x128xf32, #tpu.memory_space<vmem>>)
      %not3A = arith.constant true
      %not3A_281 = arith.xori %eq3A_224, %not3A : i1
      %convert_element_type3A_282 = arith.extui %not3A_281 : i1 to i32
      %cond3A_283 = arith.constant 0 : i32
      %cond3A_284 = arith.cmpi ne, %convert_element_type3A_282, %cond3A_283 : i32
      scf.if %cond3A_284 {
        %sub3A = arith.constant 2 : i32
        %sub3A_386 = arith.subi %mul3A_222, %sub3A : i32
        %dma_wait3A_387 = arith.constant 0 : i32
        %dma_wait3A_388 = arith.constant 0 : i32
        %dma_wait3A_389 = arith.constant 0 : i32
        %dma_wait3A_390 = tpu.memref_slice %arg12[%dma_wait3A_387, %dma_wait3A_388, %dma_wait3A_389] : memref<2x40x128xf32, #tpu.memory_space<vmem>> -> memref<1x40x128xf32, #tpu.memory_space<vmem>>
        %dma_wait3A_391 = tpu.memref_squeeze %dma_wait3A_390 : memref<1x40x128xf32, #tpu.memory_space<vmem>> -> memref<40x128xf32, #tpu.memory_space<vmem>>
        %dma_wait3A_392 = arith.constant 0 : i32
        %dma_wait3A_393 = tpu.memref_slice %arg8[%sub3A_386, %dma_wait3A_392] : memref<250x40xi32, #tpu.memory_space<vmem>> -> memref<1x40xi32, #tpu.memory_space<vmem>>
        %dma_wait3A_394 = tpu.memref_squeeze %dma_wait3A_393 : memref<1x40xi32, #tpu.memory_space<vmem>> -> memref<40xi32, #tpu.memory_space<vmem>>
        %dma_wait3A_395 = arith.constant 0 : i32
        %dma_wait3A_396 = arith.constant 0 : i32
        %dma_wait3A_397 = tpu.memref_slice %arg13[%dma_wait3A_395, %dma_wait3A_396] : memref<10000x128xf32, #tpu.memory_space<vmem_shared>> -> memref<10000x128xf32, #tpu.memory_space<vmem_shared>>
        tpu.wait_indirect_dma semaphore(%arg16 : memref<!tpu.dma_semaphore, #tpu.memory_space<semaphore_mem>>) src(%dma_wait3A_391 : memref<40x128xf32, #tpu.memory_space<vmem>>) dst(%dma_wait3A_397 : memref<10000x128xf32, #tpu.memory_space<vmem_shared>>)
      } else {
      }
      %scan3A_285 = arith.constant 0 : i32
      %scan3A_286 = arith.constant 0 : i32
      %scan3A_287 = arith.constant 40 : i32
      %scan3A_288 = arith.addi %scan3A_286, %scan3A_287 : i32
      %scan3A_289 = arith.constant 1 : i32
      scf.for %scan3A_386 = %scan3A_286 to %scan3A_288 step %scan3A_289  : i32 {
        %get3A = arith.constant 0 : i32
        %get3A_387 = arith.index_cast %get3A : i32 to index
        %get3A_388 = arith.index_cast %scan3A_386 : i32 to index
        %get3A_389 = arith.constant 0 : index
        %get3A_390 = tpu.vector_load %arg10[%get3A_387, %get3A_388, %get3A_389] {strides = array<i32>} : memref<2x40x32xf32, #tpu.memory_space<vmem>>, vector<1x1x16xf32>,
        %get3A_391 = vector.shape_cast %get3A_390 : vector<1x1x16xf32> to vector<16xf32>
        %get3A_392 = arith.constant 0 : i32
        %get3A_393 = arith.index_cast %get3A_392 : i32 to index
        %get3A_394 = arith.index_cast %scan3A_386 : i32 to index
        %get3A_395 = arith.constant 16 : index
        %get3A_396 = tpu.vector_load %arg10[%get3A_393, %get3A_394, %get3A_395] {strides = array<i32>} : memref<2x40x32xf32, #tpu.memory_space<vmem>>, vector<1x1x16xf32>,
        %get3A_397 = vector.shape_cast %get3A_396 : vector<1x1x16xf32> to vector<16xf32>
        %get3A_398 = arith.constant 0 : i32
        %get3A_399 = arith.index_cast %get3A_398 : i32 to index
        %get3A_400 = arith.index_cast %scan3A_386 : i32 to index
        %get3A_401 = arith.constant 0 : index
        %get3A_402 = tpu.vector_load %arg11[%get3A_399, %get3A_400, %get3A_401] {strides = array<i32>} : memref<2x40x128xf32, #tpu.memory_space<vmem>>, vector<1x1x16xf32>,
        %get3A_403 = vector.shape_cast %get3A_402 : vector<1x1x16xf32> to vector<16xf32>
        %mul3A_404 = arith.mulf %get3A_391, %get3A_403 : vector<16xf32>
        %swap3A = arith.constant 0 : i32
        %swap3A_405 = arith.index_cast %swap3A : i32 to index
        %swap3A_406 = arith.index_cast %scan3A_386 : i32 to index
        %swap3A_407 = arith.constant 0 : index
        %swap3A_408 = tpu.vector_load %arg12[%swap3A_405, %swap3A_406, %swap3A_407] {strides = array<i32>} : memref<2x40x128xf32, #tpu.memory_space<vmem>>, vector<1x1x16xf32>,
        %swap3A_409 = vector.shape_cast %swap3A_408 : vector<1x1x16xf32> to vector<16xf32>
        %swap3A_410 = vector.shape_cast %mul3A_404 : vector<16xf32> to vector<1x1x16xf32>
        tpu.vector_store %arg12[%swap3A_405, %swap3A_406, %swap3A_407], %swap3A_410 {strides = array<i32>} : memref<2x40x128xf32, #tpu.memory_space<vmem>>, vector<1x1x16xf32>,
        %get3A_411 = arith.constant 0 : i32
        %get3A_412 = arith.index_cast %get3A_411 : i32 to index
        %get3A_413 = arith.index_cast %scan3A_386 : i32 to index
        %get3A_414 = arith.constant 16 : index
        %get3A_415 = tpu.vector_load %arg11[%get3A_412, %get3A_413, %get3A_414] {strides = array<i32>} : memref<2x40x128xf32, #tpu.memory_space<vmem>>, vector<1x1x16xf32>,
        %get3A_416 = vector.shape_cast %get3A_415 : vector<1x1x16xf32> to vector<16xf32>
        %mul3A_417 = arith.mulf %get3A_397, %get3A_416 : vector<16xf32>
        %swap3A_418 = arith.constant 0 : i32
        %swap3A_419 = arith.index_cast %swap3A_418 : i32 to index
        %swap3A_420 = arith.index_cast %scan3A_386 : i32 to index
        %swap3A_421 = arith.constant 16 : index
        %swap3A_422 = tpu.vector_load %arg12[%swap3A_419, %swap3A_420, %swap3A_421] {strides = array<i32>} : memref<2x40x128xf32, #tpu.memory_space<vmem>>, vector<1x1x16xf32>,
        %swap3A_423 = vector.shape_cast %swap3A_422 : vector<1x1x16xf32> to vector<16xf32>
        %swap3A_424 = vector.shape_cast %mul3A_417 : vector<16xf32> to vector<1x1x16xf32>
        tpu.vector_store %arg12[%swap3A_419, %swap3A_420, %swap3A_421], %swap3A_424 {strides = array<i32>} : memref<2x40x128xf32, #tpu.memory_space<vmem>>, vector<1x1x16xf32>,
        %get3A_425 = arith.constant 0 : i32
        %get3A_426 = arith.index_cast %get3A_425 : i32 to index
        %get3A_427 = arith.index_cast %scan3A_386 : i32 to index
        %get3A_428 = arith.constant 32 : index
        %get3A_429 = tpu.vector_load %arg11[%get3A_426, %get3A_427, %get3A_428] {strides = array<i32>} : memref<2x40x128xf32, #tpu.memory_space<vmem>>, vector<1x1x16xf32>,
        %get3A_430 = vector.shape_cast %get3A_429 : vector<1x1x16xf32> to vector<16xf32>
        %mul3A_431 = arith.mulf %get3A_391, %get3A_430 : vector<16xf32>
        %swap3A_432 = arith.constant 0 : i32
        %swap3A_433 = arith.index_cast %swap3A_432 : i32 to index
        %swap3A_434 = arith.index_cast %scan3A_386 : i32 to index
        %swap3A_435 = arith.constant 32 : index
        %swap3A_436 = tpu.vector_load %arg12[%swap3A_433, %swap3A_434, %swap3A_435] {strides = array<i32>} : memref<2x40x128xf32, #tpu.memory_space<vmem>>, vector<1x1x16xf32>,
        %swap3A_437 = vector.shape_cast %swap3A_436 : vector<1x1x16xf32> to vector<16xf32>
        %swap3A_438 = vector.shape_cast %mul3A_431 : vector<16xf32> to vector<1x1x16xf32>
        tpu.vector_store %arg12[%swap3A_433, %swap3A_434, %swap3A_435], %swap3A_438 {strides = array<i32>} : memref<2x40x128xf32, #tpu.memory_space<vmem>>, vector<1x1x16xf32>,
        %get3A_439 = arith.constant 0 : i32
        %get3A_440 = arith.index_cast %get3A_439 : i32 to index
        %get3A_441 = arith.index_cast %scan3A_386 : i32 to index
        %get3A_442 = arith.constant 48 : index
        %get3A_443 = tpu.vector_load %arg11[%get3A_440, %get3A_441, %get3A_442] {strides = array<i32>} : memref<2x40x128xf32, #tpu.memory_space<vmem>>, vector<1x1x16xf32>,
        %get3A_444 = vector.shape_cast %get3A_443 : vector<1x1x16xf32> to vector<16xf32>
        %mul3A_445 = arith.mulf %get3A_397, %get3A_444 : vector<16xf32>
        %swap3A_446 = arith.constant 0 : i32
        %swap3A_447 = arith.index_cast %swap3A_446 : i32 to index
        %swap3A_448 = arith.index_cast %scan3A_386 : i32 to index
        %swap3A_449 = arith.constant 48 : index
        %swap3A_450 = tpu.vector_load %arg12[%swap3A_447, %swap3A_448, %swap3A_449] {strides = array<i32>} : memref<2x40x128xf32, #tpu.memory_space<vmem>>, vector<1x1x16xf32>,
        %swap3A_451 = vector.shape_cast %swap3A_450 : vector<1x1x16xf32> to vector<16xf32>
        %swap3A_452 = vector.shape_cast %mul3A_445 : vector<16xf32> to vector<1x1x16xf32>
        tpu.vector_store %arg12[%swap3A_447, %swap3A_448, %swap3A_449], %swap3A_452 {strides = array<i32>} : memref<2x40x128xf32, #tpu.memory_space<vmem>>, vector<1x1x16xf32>,
        %get3A_453 = arith.constant 0 : i32
        %get3A_454 = arith.index_cast %get3A_453 : i32 to index
        %get3A_455 = arith.index_cast %scan3A_386 : i32 to index
        %get3A_456 = arith.constant 64 : index
        %get3A_457 = tpu.vector_load %arg11[%get3A_454, %get3A_455, %get3A_456] {strides = array<i32>} : memref<2x40x128xf32, #tpu.memory_space<vmem>>, vector<1x1x16xf32>,
        %get3A_458 = vector.shape_cast %get3A_457 : vector<1x1x16xf32> to vector<16xf32>
        %mul3A_459 = arith.mulf %get3A_391, %get3A_458 : vector<16xf32>
        %swap3A_460 = arith.constant 0 : i32
        %swap3A_461 = arith.index_cast %swap3A_460 : i32 to index
        %swap3A_462 = arith.index_cast %scan3A_386 : i32 to index
        %swap3A_463 = arith.constant 64 : index
        %swap3A_464 = tpu.vector_load %arg12[%swap3A_461, %swap3A_462, %swap3A_463] {strides = array<i32>} : memref<2x40x128xf32, #tpu.memory_space<vmem>>, vector<1x1x16xf32>,
        %swap3A_465 = vector.shape_cast %swap3A_464 : vector<1x1x16xf32> to vector<16xf32>
        %swap3A_466 = vector.shape_cast %mul3A_459 : vector<16xf32> to vector<1x1x16xf32>
        tpu.vector_store %arg12[%swap3A_461, %swap3A_462, %swap3A_463], %swap3A_466 {strides = array<i32>} : memref<2x40x128xf32, #tpu.memory_space<vmem>>, vector<1x1x16xf32>,
        %get3A_467 = arith.constant 0 : i32
        %get3A_468 = arith.index_cast %get3A_467 : i32 to index
        %get3A_469 = arith.index_cast %scan3A_386 : i32 to index
        %get3A_470 = arith.constant 80 : index
        %get3A_471 = tpu.vector_load %arg11[%get3A_468, %get3A_469, %get3A_470] {strides = array<i32>} : memref<2x40x128xf32, #tpu.memory_space<vmem>>, vector<1x1x16xf32>,
        %get3A_472 = vector.shape_cast %get3A_471 : vector<1x1x16xf32> to vector<16xf32>
        %mul3A_473 = arith.mulf %get3A_397, %get3A_472 : vector<16xf32>
        %swap3A_474 = arith.constant 0 : i32
        %swap3A_475 = arith.index_cast %swap3A_474 : i32 to index
        %swap3A_476 = arith.index_cast %scan3A_386 : i32 to index
        %swap3A_477 = arith.constant 80 : index
        %swap3A_478 = tpu.vector_load %arg12[%swap3A_475, %swap3A_476, %swap3A_477] {strides = array<i32>} : memref<2x40x128xf32, #tpu.memory_space<vmem>>, vector<1x1x16xf32>,
        %swap3A_479 = vector.shape_cast %swap3A_478 : vector<1x1x16xf32> to vector<16xf32>
        %swap3A_480 = vector.shape_cast %mul3A_473 : vector<16xf32> to vector<1x1x16xf32>
        tpu.vector_store %arg12[%swap3A_475, %swap3A_476, %swap3A_477], %swap3A_480 {strides = array<i32>} : memref<2x40x128xf32, #tpu.memory_space<vmem>>, vector<1x1x16xf32>,
        %get3A_481 = arith.constant 0 : i32
        %get3A_482 = arith.index_cast %get3A_481 : i32 to index
        %get3A_483 = arith.index_cast %scan3A_386 : i32 to index
        %get3A_484 = arith.constant 96 : index
        %get3A_485 = tpu.vector_load %arg11[%get3A_482, %get3A_483, %get3A_484] {strides = array<i32>} : memref<2x40x128xf32, #tpu.memory_space<vmem>>, vector<1x1x16xf32>,
        %get3A_486 = vector.shape_cast %get3A_485 : vector<1x1x16xf32> to vector<16xf32>
        %mul3A_487 = arith.mulf %get3A_391, %get3A_486 : vector<16xf32>
        %swap3A_488 = arith.constant 0 : i32
        %swap3A_489 = arith.index_cast %swap3A_488 : i32 to index
        %swap3A_490 = arith.index_cast %scan3A_386 : i32 to index
        %swap3A_491 = arith.constant 96 : index
        %swap3A_492 = tpu.vector_load %arg12[%swap3A_489, %swap3A_490, %swap3A_491] {strides = array<i32>} : memref<2x40x128xf32, #tpu.memory_space<vmem>>, vector<1x1x16xf32>,
        %swap3A_493 = vector.shape_cast %swap3A_492 : vector<1x1x16xf32> to vector<16xf32>
        %swap3A_494 = vector.shape_cast %mul3A_487 : vector<16xf32> to vector<1x1x16xf32>
        tpu.vector_store %arg12[%swap3A_489, %swap3A_490, %swap3A_491], %swap3A_494 {strides = array<i32>} : memref<2x40x128xf32, #tpu.memory_space<vmem>>, vector<1x1x16xf32>,
        %get3A_495 = arith.constant 0 : i32
        %get3A_496 = arith.index_cast %get3A_495 : i32 to index
        %get3A_497 = arith.index_cast %scan3A_386 : i32 to index
        %get3A_498 = arith.constant 112 : index
        %get3A_499 = tpu.vector_load %arg11[%get3A_496, %get3A_497, %get3A_498] {strides = array<i32>} : memref<2x40x128xf32, #tpu.memory_space<vmem>>, vector<1x1x16xf32>,
        %get3A_500 = vector.shape_cast %get3A_499 : vector<1x1x16xf32> to vector<16xf32>
        %mul3A_501 = arith.mulf %get3A_397, %get3A_500 : vector<16xf32>
        %swap3A_502 = arith.constant 0 : i32
        %swap3A_503 = arith.index_cast %swap3A_502 : i32 to index
        %swap3A_504 = arith.index_cast %scan3A_386 : i32 to index
        %swap3A_505 = arith.constant 112 : index
        %swap3A_506 = tpu.vector_load %arg12[%swap3A_503, %swap3A_504, %swap3A_505] {strides = array<i32>} : memref<2x40x128xf32, #tpu.memory_space<vmem>>, vector<1x1x16xf32>,
        %swap3A_507 = vector.shape_cast %swap3A_506 : vector<1x1x16xf32> to vector<16xf32>
        %swap3A_508 = vector.shape_cast %mul3A_501 : vector<16xf32> to vector<1x1x16xf32>
        tpu.vector_store %arg12[%swap3A_503, %swap3A_504, %swap3A_505], %swap3A_508 {strides = array<i32>} : memref<2x40x128xf32, #tpu.memory_space<vmem>>, vector<1x1x16xf32>,
      }
      %scan3A_290 = arith.constant 40 : i32
      %dma_start3A_291 = arith.constant 0 : i32
      %dma_start3A_292 = arith.constant 0 : i32
      %dma_start3A_293 = arith.constant 0 : i32
      %dma_start3A_294 = tpu.memref_slice %arg12[%dma_start3A_291, %dma_start3A_292, %dma_start3A_293] : memref<2x40x128xf32, #tpu.memory_space<vmem>> -> memref<1x40x128xf32, #tpu.memory_space<vmem>>
      %dma_start3A_295 = tpu.memref_squeeze %dma_start3A_294 : memref<1x40x128xf32, #tpu.memory_space<vmem>> -> memref<40x128xf32, #tpu.memory_space<vmem>>
      %dma_start3A_296 = arith.constant 0 : i32
      %dma_start3A_297 = tpu.memref_slice %arg8[%mul3A_222, %dma_start3A_296] : memref<250x40xi32, #tpu.memory_space<vmem>> -> memref<1x40xi32, #tpu.memory_space<vmem>>
      %dma_start3A_298 = tpu.memref_squeeze %dma_start3A_297 : memref<1x40xi32, #tpu.memory_space<vmem>> -> memref<40xi32, #tpu.memory_space<vmem>>
      %dma_start3A_299 = arith.constant 0 : i32
      %dma_start3A_300 = arith.constant 0 : i32
      %dma_start3A_301 = tpu.memref_slice %arg13[%dma_start3A_299, %dma_start3A_300] : memref<10000x128xf32, #tpu.memory_space<vmem_shared>> -> memref<10000x128xf32, #tpu.memory_space<vmem_shared>>
      tpu.enqueue_indirect_dma source(%dma_start3A_295 : memref<40x128xf32, #tpu.memory_space<vmem>>) target(%dma_start3A_301 : memref<10000x128xf32, #tpu.memory_space<vmem_shared>>) offsets(%dma_start3A_298 : memref<40xi32, #tpu.memory_space<vmem>>) semaphore(%arg16 : memref<!tpu.dma_semaphore, #tpu.memory_space<semaphore_mem>>) {add = true}
      %add3A_302 = arith.constant 2 : i32
      %add3A_303 = arith.addi %mul3A_222, %add3A_302 : i32
      %dma_start3A_304 = arith.constant 0 : i32
      %dma_start3A_305 = arith.constant 0 : i32
      %dma_start3A_306 = arith.constant 0 : i32
      %dma_start3A_307 = tpu.memref_slice %arg10[%dma_start3A_304, %dma_start3A_305, %dma_start3A_306] : memref<2x40x32xf32, #tpu.memory_space<vmem>> -> memref<1x40x32xf32, #tpu.memory_space<vmem>>
      %dma_start3A_308 = tpu.memref_squeeze %dma_start3A_307 : memref<1x40x32xf32, #tpu.memory_space<vmem>> -> memref<40x32xf32, #tpu.memory_space<vmem>>
      %dma_start3A_309 = arith.constant 0 : i32
      %dma_start3A_310 = tpu.memref_slice %arg9[%add3A_303, %dma_start3A_309] : memref<250x40xi32, #tpu.memory_space<vmem>> -> memref<1x40xi32, #tpu.memory_space<vmem>>
      %dma_start3A_311 = tpu.memref_squeeze %dma_start3A_310 : memref<1x40xi32, #tpu.memory_space<vmem>> -> memref<40xi32, #tpu.memory_space<vmem>>
      %dma_start3A_312 = arith.constant 0 : i32
      %dma_start3A_313 = arith.constant 0 : i32
      %dma_start3A_314 = tpu.memref_slice %arg2[%dma_start3A_312, %dma_start3A_313] : memref<10000x32xf32, #tpu.memory_space<hbm>> -> memref<10000x32xf32, #tpu.memory_space<hbm>>
      tpu.enqueue_indirect_dma source(%dma_start3A_314 : memref<10000x32xf32, #tpu.memory_space<hbm>>) target(%dma_start3A_308 : memref<40x32xf32, #tpu.memory_space<vmem>>) offsets(%dma_start3A_311 : memref<40xi32, #tpu.memory_space<vmem>>) semaphore(%arg14 : memref<!tpu.dma_semaphore, #tpu.memory_space<semaphore_mem>>)
      %add3A_315 = arith.addi %mul3A_2, %add3A_303 : i32
      %mul3A_316 = arith.constant 40 : i32
      %mul3A_317 = arith.muli %add3A_315, %mul3A_316 : i32
      %dma_start3A_318 = arith.constant 0 : i32
      %dma_start3A_319 = arith.constant 0 : i32
      %dma_start3A_320 = arith.constant 0 : i32
      %dma_start3A_321 = tpu.memref_slice %arg11[%dma_start3A_318, %dma_start3A_319, %dma_start3A_320] : memref<2x40x128xf32, #tpu.memory_space<vmem>> -> memref<1x40x128xf32, #tpu.memory_space<vmem>>
      %dma_start3A_322 = tpu.memref_squeeze %dma_start3A_321 : memref<1x40x128xf32, #tpu.memory_space<vmem>> -> memref<40x128xf32, #tpu.memory_space<vmem>>
      %dma_start3A_323 = arith.constant 0 : i32
      %dma_start3A_324 = tpu.memref_slice %arg3[%mul3A_317, %dma_start3A_323] : memref<320000x128xf32, #tpu.memory_space<hbm>> -> memref<40x128xf32, #tpu.memory_space<hbm>>
      %dma_start3A_325 = arith.constant 0 : i32
      %dma_start3A_326 = arith.constant 0 : i32
      %dma_start3A_327 = tpu.memref_slice %arg11[%dma_start3A_318, %dma_start3A_325, %dma_start3A_326] : memref<2x40x128xf32, #tpu.memory_space<vmem>> -> memref<1x40x128xf32, #tpu.memory_space<vmem>>
      %dma_start3A_328 = tpu.memref_squeeze %dma_start3A_327 : memref<1x40x128xf32, #tpu.memory_space<vmem>> -> memref<40x128xf32, #tpu.memory_space<vmem>>
      %dma_start3A_329 = arith.constant 0 : i32
      %dma_start3A_330 = tpu.memref_slice %arg3[%mul3A_317, %dma_start3A_329] : memref<320000x128xf32, #tpu.memory_space<hbm>> -> memref<40x128xf32, #tpu.memory_space<hbm>>
      tpu.enqueue_dma source(%dma_start3A_330 : memref<40x128xf32, #tpu.memory_space<hbm>>) target(%dma_start3A_328 : memref<40x128xf32, #tpu.memory_space<vmem>>) target_semaphore(%arg14 : memref<!tpu.dma_semaphore, #tpu.memory_space<semaphore_mem>>)
      %add3A_331 = arith.constant 1 : i32
      %add3A_332 = arith.addi %mul3A_222, %add3A_331 : i32
      %dma_wait3A_333 = arith.constant 1 : i32
      %dma_wait3A_334 = arith.constant 0 : i32
      %dma_wait3A_335 = arith.constant 0 : i32
      %dma_wait3A_336 = tpu.memref_slice %arg10[%dma_wait3A_333, %dma_wait3A_334, %dma_wait3A_335] : memref<2x40x32xf32, #tpu.memory_space<vmem>> -> memref<1x40x32xf32, #tpu.memory_space<vmem>>
      %dma_wait3A_337 = tpu.memref_squeeze %dma_wait3A_336 : memref<1x40x32xf32, #tpu.memory_space<vmem>> -> memref<40x32xf32, #tpu.memory_space<vmem>>
      %dma_wait3A_338 = arith.constant 0 : i32
      %dma_wait3A_339 = tpu.memref_slice %arg9[%add3A_332, %dma_wait3A_338] : memref<250x40xi32, #tpu.memory_space<vmem>> -> memref<1x40xi32, #tpu.memory_space<vmem>>
      %dma_wait3A_340 = tpu.memref_squeeze %dma_wait3A_339 : memref<1x40xi32, #tpu.memory_space<vmem>> -> memref<40xi32, #tpu.memory_space<vmem>>
      %dma_wait3A_341 = arith.constant 0 : i32
      %dma_wait3A_342 = arith.constant 0 : i32
      %dma_wait3A_343 = tpu.memref_slice %arg2[%dma_wait3A_341, %dma_wait3A_342] : memref<10000x32xf32, #tpu.memory_space<hbm>> -> memref<10000x32xf32, #tpu.memory_space<hbm>>
      tpu.wait_indirect_dma semaphore(%arg15 : memref<!tpu.dma_semaphore, #tpu.memory_space<semaphore_mem>>) src(%dma_wait3A_343 : memref<10000x32xf32, #tpu.memory_space<hbm>>) dst(%dma_wait3A_337 : memref<40x32xf32, #tpu.memory_space<vmem>>)
      %add3A_344 = arith.addi %mul3A_2, %add3A_332 : i32
      %mul3A_345 = arith.constant 40 : i32
      %mul3A_346 = arith.muli %add3A_344, %mul3A_345 : i32
      %dma_wait3A_347 = arith.constant 1 : i32
      %dma_wait3A_348 = arith.constant 0 : i32
      %dma_wait3A_349 = arith.constant 0 : i32
      %dma_wait3A_350 = tpu.memref_slice %arg11[%dma_wait3A_347, %dma_wait3A_348, %dma_wait3A_349] : memref<2x40x128xf32, #tpu.memory_space<vmem>> -> memref<1x40x128xf32, #tpu.memory_space<vmem>>
      %dma_wait3A_351 = tpu.memref_squeeze %dma_wait3A_350 : memref<1x40x128xf32, #tpu.memory_space<vmem>> -> memref<40x128xf32, #tpu.memory_space<vmem>>
      %dma_wait3A_352 = arith.constant 0 : i32
      %dma_wait3A_353 = tpu.memref_slice %arg3[%mul3A_346, %dma_wait3A_352] : memref<320000x128xf32, #tpu.memory_space<hbm>> -> memref<40x128xf32, #tpu.memory_space<hbm>>
      %dma_wait3A_354 = arith.constant 0 : i32
      %dma_wait3A_355 = arith.constant 0 : i32
      %dma_wait3A_356 = tpu.memref_slice %arg11[%dma_wait3A_347, %dma_wait3A_354, %dma_wait3A_355] : memref<2x40x128xf32, #tpu.memory_space<vmem>> -> memref<1x40x128xf32, #tpu.memory_space<vmem>>
      %dma_wait3A_357 = tpu.memref_squeeze %dma_wait3A_356 : memref<1x40x128xf32, #tpu.memory_space<vmem>> -> memref<40x128xf32, #tpu.memory_space<vmem>>
      %dma_wait3A_358 = arith.constant 0 : i32
      %dma_wait3A_359 = tpu.memref_slice %arg3[%mul3A_346, %dma_wait3A_358] : memref<320000x128xf32, #tpu.memory_space<hbm>> -> memref<40x128xf32, #tpu.memory_space<hbm>>
      tpu.wait_dma2 semaphore(%arg15 : memref<!tpu.dma_semaphore, #tpu.memory_space<semaphore_mem>>) src(%dma_wait3A_359 : memref<40x128xf32, #tpu.memory_space<hbm>>) dst(%dma_wait3A_357 : memref<40x128xf32, #tpu.memory_space<vmem>>)
      %not3A_360 = arith.constant true
      %not3A_361 = arith.xori %eq3A_224, %not3A_360 : i1
      %convert_element_type3A_362 = arith.extui %not3A_361 : i1 to i32
      %cond3A_363 = arith.constant 0 : i32
      %cond3A_364 = arith.cmpi ne, %convert_element_type3A_362, %cond3A_363 : i32
      scf.if %cond3A_364 {
        %sub3A = arith.constant 1 : i32
        %sub3A_386 = arith.subi %mul3A_222, %sub3A : i32
        %dma_wait3A_387 = arith.constant 1 : i32
        %dma_wait3A_388 = arith.constant 0 : i32
        %dma_wait3A_389 = arith.constant 0 : i32
        %dma_wait3A_390 = tpu.memref_slice %arg12[%dma_wait3A_387, %dma_wait3A_388, %dma_wait3A_389] : memref<2x40x128xf32, #tpu.memory_space<vmem>> -> memref<1x40x128xf32, #tpu.memory_space<vmem>>
        %dma_wait3A_391 = tpu.memref_squeeze %dma_wait3A_390 : memref<1x40x128xf32, #tpu.memory_space<vmem>> -> memref<40x128xf32, #tpu.memory_space<vmem>>
        %dma_wait3A_392 = arith.constant 0 : i32
        %dma_wait3A_393 = tpu.memref_slice %arg8[%sub3A_386, %dma_wait3A_392] : memref<250x40xi32, #tpu.memory_space<vmem>> -> memref<1x40xi32, #tpu.memory_space<vmem>>
        %dma_wait3A_394 = tpu.memref_squeeze %dma_wait3A_393 : memref<1x40xi32, #tpu.memory_space<vmem>> -> memref<40xi32, #tpu.memory_space<vmem>>
        %dma_wait3A_395 = arith.constant 0 : i32
        %dma_wait3A_396 = arith.constant 0 : i32
        %dma_wait3A_397 = tpu.memref_slice %arg13[%dma_wait3A_395, %dma_wait3A_396] : memref<10000x128xf32, #tpu.memory_space<vmem_shared>> -> memref<10000x128xf32, #tpu.memory_space<vmem_shared>>
        tpu.wait_indirect_dma semaphore(%arg17 : memref<!tpu.dma_semaphore, #tpu.memory_space<semaphore_mem>>) src(%dma_wait3A_391 : memref<40x128xf32, #tpu.memory_space<vmem>>) dst(%dma_wait3A_397 : memref<10000x128xf32, #tpu.memory_space<vmem_shared>>)
      } else {
      }
      %add3A_365 = arith.constant 1 : i32
      %add3A_366 = arith.addi %mul3A_222, %add3A_365 : i32
      %scan3A_367 = arith.constant 0 : i32
      %scan3A_368 = arith.constant 0 : i32
      %scan3A_369 = arith.constant 40 : i32
      %scan3A_370 = arith.addi %scan3A_368, %scan3A_369 : i32
      %scan3A_371 = arith.constant 1 : i32
      scf.for %scan3A_386 = %scan3A_368 to %scan3A_370 step %scan3A_371  : i32 {
        %get3A = arith.constant 1 : i32
        %get3A_387 = arith.index_cast %get3A : i32 to index
        %get3A_388 = arith.index_cast %scan3A_386 : i32 to index
        %get3A_389 = arith.constant 0 : index
        %get3A_390 = tpu.vector_load %arg10[%get3A_387, %get3A_388, %get3A_389] {strides = array<i32>} : memref<2x40x32xf32, #tpu.memory_space<vmem>>, vector<1x1x16xf32>,
        %get3A_391 = vector.shape_cast %get3A_390 : vector<1x1x16xf32> to vector<16xf32>
        %get3A_392 = arith.constant 1 : i32
        %get3A_393 = arith.index_cast %get3A_392 : i32 to index
        %get3A_394 = arith.index_cast %scan3A_386 : i32 to index
        %get3A_395 = arith.constant 16 : index
        %get3A_396 = tpu.vector_load %arg10[%get3A_393, %get3A_394, %get3A_395] {strides = array<i32>} : memref<2x40x32xf32, #tpu.memory_space<vmem>>, vector<1x1x16xf32>,
        %get3A_397 = vector.shape_cast %get3A_396 : vector<1x1x16xf32> to vector<16xf32>
        %get3A_398 = arith.constant 1 : i32
        %get3A_399 = arith.index_cast %get3A_398 : i32 to index
        %get3A_400 = arith.index_cast %scan3A_386 : i32 to index
        %get3A_401 = arith.constant 0 : index
        %get3A_402 = tpu.vector_load %arg11[%get3A_399, %get3A_400, %get3A_401] {strides = array<i32>} : memref<2x40x128xf32, #tpu.memory_space<vmem>>, vector<1x1x16xf32>,
        %get3A_403 = vector.shape_cast %get3A_402 : vector<1x1x16xf32> to vector<16xf32>
        %mul3A_404 = arith.mulf %get3A_391, %get3A_403 : vector<16xf32>
        %swap3A = arith.constant 1 : i32
        %swap3A_405 = arith.index_cast %swap3A : i32 to index
        %swap3A_406 = arith.index_cast %scan3A_386 : i32 to index
        %swap3A_407 = arith.constant 0 : index
        %swap3A_408 = tpu.vector_load %arg12[%swap3A_405, %swap3A_406, %swap3A_407] {strides = array<i32>} : memref<2x40x128xf32, #tpu.memory_space<vmem>>, vector<1x1x16xf32>,
        %swap3A_409 = vector.shape_cast %swap3A_408 : vector<1x1x16xf32> to vector<16xf32>
        %swap3A_410 = vector.shape_cast %mul3A_404 : vector<16xf32> to vector<1x1x16xf32>
        tpu.vector_store %arg12[%swap3A_405, %swap3A_406, %swap3A_407], %swap3A_410 {strides = array<i32>} : memref<2x40x128xf32, #tpu.memory_space<vmem>>, vector<1x1x16xf32>,
        %get3A_411 = arith.constant 1 : i32
        %get3A_412 = arith.index_cast %get3A_411 : i32 to index
        %get3A_413 = arith.index_cast %scan3A_386 : i32 to index
        %get3A_414 = arith.constant 16 : index
        %get3A_415 = tpu.vector_load %arg11[%get3A_412, %get3A_413, %get3A_414] {strides = array<i32>} : memref<2x40x128xf32, #tpu.memory_space<vmem>>, vector<1x1x16xf32>,
        %get3A_416 = vector.shape_cast %get3A_415 : vector<1x1x16xf32> to vector<16xf32>
        %mul3A_417 = arith.mulf %get3A_397, %get3A_416 : vector<16xf32>
        %swap3A_418 = arith.constant 1 : i32
        %swap3A_419 = arith.index_cast %swap3A_418 : i32 to index
        %swap3A_420 = arith.index_cast %scan3A_386 : i32 to index
        %swap3A_421 = arith.constant 16 : index
        %swap3A_422 = tpu.vector_load %arg12[%swap3A_419, %swap3A_420, %swap3A_421] {strides = array<i32>} : memref<2x40x128xf32, #tpu.memory_space<vmem>>, vector<1x1x16xf32>,
        %swap3A_423 = vector.shape_cast %swap3A_422 : vector<1x1x16xf32> to vector<16xf32>
        %swap3A_424 = vector.shape_cast %mul3A_417 : vector<16xf32> to vector<1x1x16xf32>
        tpu.vector_store %arg12[%swap3A_419, %swap3A_420, %swap3A_421], %swap3A_424 {strides = array<i32>} : memref<2x40x128xf32, #tpu.memory_space<vmem>>, vector<1x1x16xf32>,
        %get3A_425 = arith.constant 1 : i32
        %get3A_426 = arith.index_cast %get3A_425 : i32 to index
        %get3A_427 = arith.index_cast %scan3A_386 : i32 to index
        %get3A_428 = arith.constant 32 : index
        %get3A_429 = tpu.vector_load %arg11[%get3A_426, %get3A_427, %get3A_428] {strides = array<i32>} : memref<2x40x128xf32, #tpu.memory_space<vmem>>, vector<1x1x16xf32>,
        %get3A_430 = vector.shape_cast %get3A_429 : vector<1x1x16xf32> to vector<16xf32>
        %mul3A_431 = arith.mulf %get3A_391, %get3A_430 : vector<16xf32>
        %swap3A_432 = arith.constant 1 : i32
        %swap3A_433 = arith.index_cast %swap3A_432 : i32 to index
        %swap3A_434 = arith.index_cast %scan3A_386 : i32 to index
        %swap3A_435 = arith.constant 32 : index
        %swap3A_436 = tpu.vector_load %arg12[%swap3A_433, %swap3A_434, %swap3A_435] {strides = array<i32>} : memref<2x40x128xf32, #tpu.memory_space<vmem>>, vector<1x1x16xf32>,
        %swap3A_437 = vector.shape_cast %swap3A_436 : vector<1x1x16xf32> to vector<16xf32>
        %swap3A_438 = vector.shape_cast %mul3A_431 : vector<16xf32> to vector<1x1x16xf32>
        tpu.vector_store %arg12[%swap3A_433, %swap3A_434, %swap3A_435], %swap3A_438 {strides = array<i32>} : memref<2x40x128xf32, #tpu.memory_space<vmem>>, vector<1x1x16xf32>,
        %get3A_439 = arith.constant 1 : i32
        %get3A_440 = arith.index_cast %get3A_439 : i32 to index
        %get3A_441 = arith.index_cast %scan3A_386 : i32 to index
        %get3A_442 = arith.constant 48 : index
        %get3A_443 = tpu.vector_load %arg11[%get3A_440, %get3A_441, %get3A_442] {strides = array<i32>} : memref<2x40x128xf32, #tpu.memory_space<vmem>>, vector<1x1x16xf32>,
        %get3A_444 = vector.shape_cast %get3A_443 : vector<1x1x16xf32> to vector<16xf32>
        %mul3A_445 = arith.mulf %get3A_397, %get3A_444 : vector<16xf32>
        %swap3A_446 = arith.constant 1 : i32
        %swap3A_447 = arith.index_cast %swap3A_446 : i32 to index
        %swap3A_448 = arith.index_cast %scan3A_386 : i32 to index
        %swap3A_449 = arith.constant 48 : index
        %swap3A_450 = tpu.vector_load %arg12[%swap3A_447, %swap3A_448, %swap3A_449] {strides = array<i32>} : memref<2x40x128xf32, #tpu.memory_space<vmem>>, vector<1x1x16xf32>,
        %swap3A_451 = vector.shape_cast %swap3A_450 : vector<1x1x16xf32> to vector<16xf32>
        %swap3A_452 = vector.shape_cast %mul3A_445 : vector<16xf32> to vector<1x1x16xf32>
        tpu.vector_store %arg12[%swap3A_447, %swap3A_448, %swap3A_449], %swap3A_452 {strides = array<i32>} : memref<2x40x128xf32, #tpu.memory_space<vmem>>, vector<1x1x16xf32>,
        %get3A_453 = arith.constant 1 : i32
        %get3A_454 = arith.index_cast %get3A_453 : i32 to index
        %get3A_455 = arith.index_cast %scan3A_386 : i32 to index
        %get3A_456 = arith.constant 64 : index
        %get3A_457 = tpu.vector_load %arg11[%get3A_454, %get3A_455, %get3A_456] {strides = array<i32>} : memref<2x40x128xf32, #tpu.memory_space<vmem>>, vector<1x1x16xf32>,
        %get3A_458 = vector.shape_cast %get3A_457 : vector<1x1x16xf32> to vector<16xf32>
        %mul3A_459 = arith.mulf %get3A_391, %get3A_458 : vector<16xf32>
        %swap3A_460 = arith.constant 1 : i32
        %swap3A_461 = arith.index_cast %swap3A_460 : i32 to index
        %swap3A_462 = arith.index_cast %scan3A_386 : i32 to index
        %swap3A_463 = arith.constant 64 : index
        %swap3A_464 = tpu.vector_load %arg12[%swap3A_461, %swap3A_462, %swap3A_463] {strides = array<i32>} : memref<2x40x128xf32, #tpu.memory_space<vmem>>, vector<1x1x16xf32>,
        %swap3A_465 = vector.shape_cast %swap3A_464 : vector<1x1x16xf32> to vector<16xf32>
        %swap3A_466 = vector.shape_cast %mul3A_459 : vector<16xf32> to vector<1x1x16xf32>
        tpu.vector_store %arg12[%swap3A_461, %swap3A_462, %swap3A_463], %swap3A_466 {strides = array<i32>} : memref<2x40x128xf32, #tpu.memory_space<vmem>>, vector<1x1x16xf32>,
        %get3A_467 = arith.constant 1 : i32
        %get3A_468 = arith.index_cast %get3A_467 : i32 to index
        %get3A_469 = arith.index_cast %scan3A_386 : i32 to index
        %get3A_470 = arith.constant 80 : index
        %get3A_471 = tpu.vector_load %arg11[%get3A_468, %get3A_469, %get3A_470] {strides = array<i32>} : memref<2x40x128xf32, #tpu.memory_space<vmem>>, vector<1x1x16xf32>,
        %get3A_472 = vector.shape_cast %get3A_471 : vector<1x1x16xf32> to vector<16xf32>
        %mul3A_473 = arith.mulf %get3A_397, %get3A_472 : vector<16xf32>
        %swap3A_474 = arith.constant 1 : i32
        %swap3A_475 = arith.index_cast %swap3A_474 : i32 to index
        %swap3A_476 = arith.index_cast %scan3A_386 : i32 to index
        %swap3A_477 = arith.constant 80 : index
        %swap3A_478 = tpu.vector_load %arg12[%swap3A_475, %swap3A_476, %swap3A_477] {strides = array<i32>} : memref<2x40x128xf32, #tpu.memory_space<vmem>>, vector<1x1x16xf32>,
        %swap3A_479 = vector.shape_cast %swap3A_478 : vector<1x1x16xf32> to vector<16xf32>
        %swap3A_480 = vector.shape_cast %mul3A_473 : vector<16xf32> to vector<1x1x16xf32>
        tpu.vector_store %arg12[%swap3A_475, %swap3A_476, %swap3A_477], %swap3A_480 {strides = array<i32>} : memref<2x40x128xf32, #tpu.memory_space<vmem>>, vector<1x1x16xf32>,
        %get3A_481 = arith.constant 1 : i32
        %get3A_482 = arith.index_cast %get3A_481 : i32 to index
        %get3A_483 = arith.index_cast %scan3A_386 : i32 to index
        %get3A_484 = arith.constant 96 : index
        %get3A_485 = tpu.vector_load %arg11[%get3A_482, %get3A_483, %get3A_484] {strides = array<i32>} : memref<2x40x128xf32, #tpu.memory_space<vmem>>, vector<1x1x16xf32>,
        %get3A_486 = vector.shape_cast %get3A_485 : vector<1x1x16xf32> to vector<16xf32>
        %mul3A_487 = arith.mulf %get3A_391, %get3A_486 : vector<16xf32>
        %swap3A_488 = arith.constant 1 : i32
        %swap3A_489 = arith.index_cast %swap3A_488 : i32 to index
        %swap3A_490 = arith.index_cast %scan3A_386 : i32 to index
        %swap3A_491 = arith.constant 96 : index
        %swap3A_492 = tpu.vector_load %arg12[%swap3A_489, %swap3A_490, %swap3A_491] {strides = array<i32>} : memref<2x40x128xf32, #tpu.memory_space<vmem>>, vector<1x1x16xf32>,
        %swap3A_493 = vector.shape_cast %swap3A_492 : vector<1x1x16xf32> to vector<16xf32>
        %swap3A_494 = vector.shape_cast %mul3A_487 : vector<16xf32> to vector<1x1x16xf32>
        tpu.vector_store %arg12[%swap3A_489, %swap3A_490, %swap3A_491], %swap3A_494 {strides = array<i32>} : memref<2x40x128xf32, #tpu.memory_space<vmem>>, vector<1x1x16xf32>,
        %get3A_495 = arith.constant 1 : i32
        %get3A_496 = arith.index_cast %get3A_495 : i32 to index
        %get3A_497 = arith.index_cast %scan3A_386 : i32 to index
        %get3A_498 = arith.constant 112 : index
        %get3A_499 = tpu.vector_load %arg11[%get3A_496, %get3A_497, %get3A_498] {strides = array<i32>} : memref<2x40x128xf32, #tpu.memory_space<vmem>>, vector<1x1x16xf32>,
        %get3A_500 = vector.shape_cast %get3A_499 : vector<1x1x16xf32> to vector<16xf32>
        %mul3A_501 = arith.mulf %get3A_397, %get3A_500 : vector<16xf32>
        %swap3A_502 = arith.constant 1 : i32
        %swap3A_503 = arith.index_cast %swap3A_502 : i32 to index
        %swap3A_504 = arith.index_cast %scan3A_386 : i32 to index
        %swap3A_505 = arith.constant 112 : index
        %swap3A_506 = tpu.vector_load %arg12[%swap3A_503, %swap3A_504, %swap3A_505] {strides = array<i32>} : memref<2x40x128xf32, #tpu.memory_space<vmem>>, vector<1x1x16xf32>,
        %swap3A_507 = vector.shape_cast %swap3A_506 : vector<1x1x16xf32> to vector<16xf32>
        %swap3A_508 = vector.shape_cast %mul3A_501 : vector<16xf32> to vector<1x1x16xf32>
        tpu.vector_store %arg12[%swap3A_503, %swap3A_504, %swap3A_505], %swap3A_508 {strides = array<i32>} : memref<2x40x128xf32, #tpu.memory_space<vmem>>, vector<1x1x16xf32>,
      }
      %scan3A_372 = arith.constant 40 : i32
      %add3A_373 = arith.constant 1 : i32
      %add3A_374 = arith.addi %mul3A_222, %add3A_373 : i32
      %dma_start3A_375 = arith.constant 1 : i32
      %dma_start3A_376 = arith.constant 0 : i32
      %dma_start3A_377 = arith.constant 0 : i32
      %dma_start3A_378 = tpu.memref_slice %arg12[%dma_start3A_375, %dma_start3A_376, %dma_start3A_377] : memref<2x40x128xf32, #tpu.memory_space<vmem>> -> memref<1x40x128xf32, #tpu.memory_space<vmem>>
      %dma_start3A_379 = tpu.memref_squeeze %dma_start3A_378 : memref<1x40x128xf32, #tpu.memory_space<vmem>> -> memref<40x128xf32, #tpu.memory_space<vmem>>
      %dma_start3A_380 = arith.constant 0 : i32
      %dma_start3A_381 = tpu.memref_slice %arg8[%add3A_374, %dma_start3A_380] : memref<250x40xi32, #tpu.memory_space<vmem>> -> memref<1x40xi32, #tpu.memory_space<vmem>>
      %dma_start3A_382 = tpu.memref_squeeze %dma_start3A_381 : memref<1x40xi32, #tpu.memory_space<vmem>> -> memref<40xi32, #tpu.memory_space<vmem>>
      %dma_start3A_383 = arith.constant 0 : i32
      %dma_start3A_384 = arith.constant 0 : i32
      %dma_start3A_385 = tpu.memref_slice %arg13[%dma_start3A_383, %dma_start3A_384] : memref<10000x128xf32, #tpu.memory_space<vmem_shared>> -> memref<10000x128xf32, #tpu.memory_space<vmem_shared>>
      tpu.enqueue_indirect_dma source(%dma_start3A_379 : memref<40x128xf32, #tpu.memory_space<vmem>>) target(%dma_start3A_385 : memref<10000x128xf32, #tpu.memory_space<vmem_shared>>) offsets(%dma_start3A_382 : memref<40xi32, #tpu.memory_space<vmem>>) semaphore(%arg17 : memref<!tpu.dma_semaphore, #tpu.memory_space<semaphore_mem>>) {add = true}
    }
    %scan3A_39 = arith.constant 124 : i32
    %dma_start3A_40 = arith.constant 249 : i32
    %dma_start3A_41 = arith.constant 1 : i32
    %dma_start3A_42 = arith.constant 0 : i32
    %dma_start3A_43 = arith.constant 0 : i32
    %dma_start3A_44 = tpu.memref_slice %arg10[%dma_start3A_41, %dma_start3A_42, %dma_start3A_43] : memref<2x40x32xf32, #tpu.memory_space<vmem>> -> memref<1x40x32xf32, #tpu.memory_space<vmem>>
    %dma_start3A_45 = tpu.memref_squeeze %dma_start3A_44 : memref<1x40x32xf32, #tpu.memory_space<vmem>> -> memref<40x32xf32, #tpu.memory_space<vmem>>
    %dma_start3A_46 = arith.constant 0 : i32
    %dma_start3A_47 = tpu.memref_slice %arg9[%dma_start3A_40, %dma_start3A_46] : memref<250x40xi32, #tpu.memory_space<vmem>> -> memref<1x40xi32, #tpu.memory_space<vmem>>
    %dma_start3A_48 = tpu.memref_squeeze %dma_start3A_47 : memref<1x40xi32, #tpu.memory_space<vmem>> -> memref<40xi32, #tpu.memory_space<vmem>>
    %dma_start3A_49 = arith.constant 0 : i32
    %dma_start3A_50 = arith.constant 0 : i32
    %dma_start3A_51 = tpu.memref_slice %arg2[%dma_start3A_49, %dma_start3A_50] : memref<10000x32xf32, #tpu.memory_space<hbm>> -> memref<10000x32xf32, #tpu.memory_space<hbm>>
    tpu.enqueue_indirect_dma source(%dma_start3A_51 : memref<10000x32xf32, #tpu.memory_space<hbm>>) target(%dma_start3A_45 : memref<40x32xf32, #tpu.memory_space<vmem>>) offsets(%dma_start3A_48 : memref<40xi32, #tpu.memory_space<vmem>>) semaphore(%arg15 : memref<!tpu.dma_semaphore, #tpu.memory_space<semaphore_mem>>)
    %add3A_52 = arith.constant 249 : i32
    %add3A_53 = arith.addi %mul3A_2, %add3A_52 : i32
    %mul3A_54 = arith.constant 40 : i32
    %mul3A_55 = arith.muli %add3A_53, %mul3A_54 : i32
    %dma_start3A_56 = arith.constant 1 : i32
    %dma_start3A_57 = arith.constant 0 : i32
    %dma_start3A_58 = arith.constant 0 : i32
    %dma_start3A_59 = tpu.memref_slice %arg11[%dma_start3A_56, %dma_start3A_57, %dma_start3A_58] : memref<2x40x128xf32, #tpu.memory_space<vmem>> -> memref<1x40x128xf32, #tpu.memory_space<vmem>>
    %dma_start3A_60 = tpu.memref_squeeze %dma_start3A_59 : memref<1x40x128xf32, #tpu.memory_space<vmem>> -> memref<40x128xf32, #tpu.memory_space<vmem>>
    %dma_start3A_61 = arith.constant 0 : i32
    %dma_start3A_62 = tpu.memref_slice %arg3[%mul3A_55, %dma_start3A_61] : memref<320000x128xf32, #tpu.memory_space<hbm>> -> memref<40x128xf32, #tpu.memory_space<hbm>>
    %dma_start3A_63 = arith.constant 0 : i32
    %dma_start3A_64 = arith.constant 0 : i32
    %dma_start3A_65 = tpu.memref_slice %arg11[%dma_start3A_56, %dma_start3A_63, %dma_start3A_64] : memref<2x40x128xf32, #tpu.memory_space<vmem>> -> memref<1x40x128xf32, #tpu.memory_space<vmem>>
    %dma_start3A_66 = tpu.memref_squeeze %dma_start3A_65 : memref<1x40x128xf32, #tpu.memory_space<vmem>> -> memref<40x128xf32, #tpu.memory_space<vmem>>
    %dma_start3A_67 = arith.constant 0 : i32
    %dma_start3A_68 = tpu.memref_slice %arg3[%mul3A_55, %dma_start3A_67] : memref<320000x128xf32, #tpu.memory_space<hbm>> -> memref<40x128xf32, #tpu.memory_space<hbm>>
    tpu.enqueue_dma source(%dma_start3A_68 : memref<40x128xf32, #tpu.memory_space<hbm>>) target(%dma_start3A_66 : memref<40x128xf32, #tpu.memory_space<vmem>>) target_semaphore(%arg15 : memref<!tpu.dma_semaphore, #tpu.memory_space<semaphore_mem>>)
    %dma_wait3A = arith.constant 248 : i32
    %dma_wait3A_69 = arith.constant 0 : i32
    %dma_wait3A_70 = arith.constant 0 : i32
    %dma_wait3A_71 = arith.constant 0 : i32
    %dma_wait3A_72 = tpu.memref_slice %arg10[%dma_wait3A_69, %dma_wait3A_70, %dma_wait3A_71] : memref<2x40x32xf32, #tpu.memory_space<vmem>> -> memref<1x40x32xf32, #tpu.memory_space<vmem>>
    %dma_wait3A_73 = tpu.memref_squeeze %dma_wait3A_72 : memref<1x40x32xf32, #tpu.memory_space<vmem>> -> memref<40x32xf32, #tpu.memory_space<vmem>>
    %dma_wait3A_74 = arith.constant 0 : i32
    %dma_wait3A_75 = tpu.memref_slice %arg9[%dma_wait3A, %dma_wait3A_74] : memref<250x40xi32, #tpu.memory_space<vmem>> -> memref<1x40xi32, #tpu.memory_space<vmem>>
    %dma_wait3A_76 = tpu.memref_squeeze %dma_wait3A_75 : memref<1x40xi32, #tpu.memory_space<vmem>> -> memref<40xi32, #tpu.memory_space<vmem>>
    %dma_wait3A_77 = arith.constant 0 : i32
    %dma_wait3A_78 = arith.constant 0 : i32
    %dma_wait3A_79 = tpu.memref_slice %arg2[%dma_wait3A_77, %dma_wait3A_78] : memref<10000x32xf32, #tpu.memory_space<hbm>> -> memref<10000x32xf32, #tpu.memory_space<hbm>>
    tpu.wait_indirect_dma semaphore(%arg14 : memref<!tpu.dma_semaphore, #tpu.memory_space<semaphore_mem>>) src(%dma_wait3A_79 : memref<10000x32xf32, #tpu.memory_space<hbm>>) dst(%dma_wait3A_73 : memref<40x32xf32, #tpu.memory_space<vmem>>)
    %add3A_80 = arith.constant 248 : i32
    %add3A_81 = arith.addi %mul3A_2, %add3A_80 : i32
    %mul3A_82 = arith.constant 40 : i32
    %mul3A_83 = arith.muli %add3A_81, %mul3A_82 : i32
    %dma_wait3A_84 = arith.constant 0 : i32
    %dma_wait3A_85 = arith.constant 0 : i32
    %dma_wait3A_86 = arith.constant 0 : i32
    %dma_wait3A_87 = tpu.memref_slice %arg11[%dma_wait3A_84, %dma_wait3A_85, %dma_wait3A_86] : memref<2x40x128xf32, #tpu.memory_space<vmem>> -> memref<1x40x128xf32, #tpu.memory_space<vmem>>
    %dma_wait3A_88 = tpu.memref_squeeze %dma_wait3A_87 : memref<1x40x128xf32, #tpu.memory_space<vmem>> -> memref<40x128xf32, #tpu.memory_space<vmem>>
    %dma_wait3A_89 = arith.constant 0 : i32
    %dma_wait3A_90 = tpu.memref_slice %arg3[%mul3A_83, %dma_wait3A_89] : memref<320000x128xf32, #tpu.memory_space<hbm>> -> memref<40x128xf32, #tpu.memory_space<hbm>>
    %dma_wait3A_91 = arith.constant 0 : i32
    %dma_wait3A_92 = arith.constant 0 : i32
    %dma_wait3A_93 = tpu.memref_slice %arg11[%dma_wait3A_84, %dma_wait3A_91, %dma_wait3A_92] : memref<2x40x128xf32, #tpu.memory_space<vmem>> -> memref<1x40x128xf32, #tpu.memory_space<vmem>>
    %dma_wait3A_94 = tpu.memref_squeeze %dma_wait3A_93 : memref<1x40x128xf32, #tpu.memory_space<vmem>> -> memref<40x128xf32, #tpu.memory_space<vmem>>
    %dma_wait3A_95 = arith.constant 0 : i32
    %dma_wait3A_96 = tpu.memref_slice %arg3[%mul3A_83, %dma_wait3A_95] : memref<320000x128xf32, #tpu.memory_space<hbm>> -> memref<40x128xf32, #tpu.memory_space<hbm>>
    tpu.wait_dma2 semaphore(%arg14 : memref<!tpu.dma_semaphore, #tpu.memory_space<semaphore_mem>>) src(%dma_wait3A_96 : memref<40x128xf32, #tpu.memory_space<hbm>>) dst(%dma_wait3A_94 : memref<40x128xf32, #tpu.memory_space<vmem>>)
    %dma_wait3A_97 = arith.constant 0 : i32
    %dma_wait3A_98 = arith.constant 246 : i32
    %dma_wait3A_99 = arith.constant 0 : i32
    %dma_wait3A_100 = arith.constant 0 : i32
    %dma_wait3A_101 = tpu.memref_slice %arg12[%dma_wait3A_97, %dma_wait3A_99, %dma_wait3A_100] : memref<2x40x128xf32, #tpu.memory_space<vmem>> -> memref<1x40x128xf32, #tpu.memory_space<vmem>>
    %dma_wait3A_102 = tpu.memref_squeeze %dma_wait3A_101 : memref<1x40x128xf32, #tpu.memory_space<vmem>> -> memref<40x128xf32, #tpu.memory_space<vmem>>
    %dma_wait3A_103 = arith.constant 0 : i32
    %dma_wait3A_104 = tpu.memref_slice %arg8[%dma_wait3A_98, %dma_wait3A_103] : memref<250x40xi32, #tpu.memory_space<vmem>> -> memref<1x40xi32, #tpu.memory_space<vmem>>
    %dma_wait3A_105 = tpu.memref_squeeze %dma_wait3A_104 : memref<1x40xi32, #tpu.memory_space<vmem>> -> memref<40xi32, #tpu.memory_space<vmem>>
    %dma_wait3A_106 = arith.constant 0 : i32
    %dma_wait3A_107 = arith.constant 0 : i32
    %dma_wait3A_108 = tpu.memref_slice %arg13[%dma_wait3A_106, %dma_wait3A_107] : memref<10000x128xf32, #tpu.memory_space<vmem_shared>> -> memref<10000x128xf32, #tpu.memory_space<vmem_shared>>
    tpu.wait_indirect_dma semaphore(%arg16 : memref<!tpu.dma_semaphore, #tpu.memory_space<semaphore_mem>>) src(%dma_wait3A_102 : memref<40x128xf32, #tpu.memory_space<vmem>>) dst(%dma_wait3A_108 : memref<10000x128xf32, #tpu.memory_space<vmem_shared>>)
    %scan3A_109 = arith.constant 0 : i32
    %scan3A_110 = arith.constant 0 : i32
    %scan3A_111 = arith.constant 40 : i32
    %scan3A_112 = arith.addi %scan3A_110, %scan3A_111 : i32
    %scan3A_113 = arith.constant 1 : i32
    scf.for %scan3A_220 = %scan3A_110 to %scan3A_112 step %scan3A_113  : i32 {
      %get3A = arith.constant 0 : i32
      %get3A_221 = arith.index_cast %get3A : i32 to index
      %get3A_222 = arith.index_cast %scan3A_220 : i32 to index
      %get3A_223 = arith.constant 0 : index
      %get3A_224 = tpu.vector_load %arg10[%get3A_221, %get3A_222, %get3A_223] {strides = array<i32>} : memref<2x40x32xf32, #tpu.memory_space<vmem>>, vector<1x1x16xf32>,
      %get3A_225 = vector.shape_cast %get3A_224 : vector<1x1x16xf32> to vector<16xf32>
      %get3A_226 = arith.constant 0 : i32
      %get3A_227 = arith.index_cast %get3A_226 : i32 to index
      %get3A_228 = arith.index_cast %scan3A_220 : i32 to index
      %get3A_229 = arith.constant 16 : index
      %get3A_230 = tpu.vector_load %arg10[%get3A_227, %get3A_228, %get3A_229] {strides = array<i32>} : memref<2x40x32xf32, #tpu.memory_space<vmem>>, vector<1x1x16xf32>,
      %get3A_231 = vector.shape_cast %get3A_230 : vector<1x1x16xf32> to vector<16xf32>
      %get3A_232 = arith.constant 0 : i32
      %get3A_233 = arith.index_cast %get3A_232 : i32 to index
      %get3A_234 = arith.index_cast %scan3A_220 : i32 to index
      %get3A_235 = arith.constant 0 : index
      %get3A_236 = tpu.vector_load %arg11[%get3A_233, %get3A_234, %get3A_235] {strides = array<i32>} : memref<2x40x128xf32, #tpu.memory_space<vmem>>, vector<1x1x16xf32>,
      %get3A_237 = vector.shape_cast %get3A_236 : vector<1x1x16xf32> to vector<16xf32>
      %mul3A_238 = arith.mulf %get3A_225, %get3A_237 : vector<16xf32>
      %swap3A = arith.constant 0 : i32
      %swap3A_239 = arith.index_cast %swap3A : i32 to index
      %swap3A_240 = arith.index_cast %scan3A_220 : i32 to index
      %swap3A_241 = arith.constant 0 : index
      %swap3A_242 = tpu.vector_load %arg12[%swap3A_239, %swap3A_240, %swap3A_241] {strides = array<i32>} : memref<2x40x128xf32, #tpu.memory_space<vmem>>, vector<1x1x16xf32>,
      %swap3A_243 = vector.shape_cast %swap3A_242 : vector<1x1x16xf32> to vector<16xf32>
      %swap3A_244 = vector.shape_cast %mul3A_238 : vector<16xf32> to vector<1x1x16xf32>
      tpu.vector_store %arg12[%swap3A_239, %swap3A_240, %swap3A_241], %swap3A_244 {strides = array<i32>} : memref<2x40x128xf32, #tpu.memory_space<vmem>>, vector<1x1x16xf32>,
      %get3A_245 = arith.constant 0 : i32
      %get3A_246 = arith.index_cast %get3A_245 : i32 to index
      %get3A_247 = arith.index_cast %scan3A_220 : i32 to index
      %get3A_248 = arith.constant 16 : index
      %get3A_249 = tpu.vector_load %arg11[%get3A_246, %get3A_247, %get3A_248] {strides = array<i32>} : memref<2x40x128xf32, #tpu.memory_space<vmem>>, vector<1x1x16xf32>,
      %get3A_250 = vector.shape_cast %get3A_249 : vector<1x1x16xf32> to vector<16xf32>
      %mul3A_251 = arith.mulf %get3A_231, %get3A_250 : vector<16xf32>
      %swap3A_252 = arith.constant 0 : i32
      %swap3A_253 = arith.index_cast %swap3A_252 : i32 to index
      %swap3A_254 = arith.index_cast %scan3A_220 : i32 to index
      %swap3A_255 = arith.constant 16 : index
      %swap3A_256 = tpu.vector_load %arg12[%swap3A_253, %swap3A_254, %swap3A_255] {strides = array<i32>} : memref<2x40x128xf32, #tpu.memory_space<vmem>>, vector<1x1x16xf32>,
      %swap3A_257 = vector.shape_cast %swap3A_256 : vector<1x1x16xf32> to vector<16xf32>
      %swap3A_258 = vector.shape_cast %mul3A_251 : vector<16xf32> to vector<1x1x16xf32>
      tpu.vector_store %arg12[%swap3A_253, %swap3A_254, %swap3A_255], %swap3A_258 {strides = array<i32>} : memref<2x40x128xf32, #tpu.memory_space<vmem>>, vector<1x1x16xf32>,
      %get3A_259 = arith.constant 0 : i32
      %get3A_260 = arith.index_cast %get3A_259 : i32 to index
      %get3A_261 = arith.index_cast %scan3A_220 : i32 to index
      %get3A_262 = arith.constant 32 : index
      %get3A_263 = tpu.vector_load %arg11[%get3A_260, %get3A_261, %get3A_262] {strides = array<i32>} : memref<2x40x128xf32, #tpu.memory_space<vmem>>, vector<1x1x16xf32>,
      %get3A_264 = vector.shape_cast %get3A_263 : vector<1x1x16xf32> to vector<16xf32>
      %mul3A_265 = arith.mulf %get3A_225, %get3A_264 : vector<16xf32>
      %swap3A_266 = arith.constant 0 : i32
      %swap3A_267 = arith.index_cast %swap3A_266 : i32 to index
      %swap3A_268 = arith.index_cast %scan3A_220 : i32 to index
      %swap3A_269 = arith.constant 32 : index
      %swap3A_270 = tpu.vector_load %arg12[%swap3A_267, %swap3A_268, %swap3A_269] {strides = array<i32>} : memref<2x40x128xf32, #tpu.memory_space<vmem>>, vector<1x1x16xf32>,
      %swap3A_271 = vector.shape_cast %swap3A_270 : vector<1x1x16xf32> to vector<16xf32>
      %swap3A_272 = vector.shape_cast %mul3A_265 : vector<16xf32> to vector<1x1x16xf32>
      tpu.vector_store %arg12[%swap3A_267, %swap3A_268, %swap3A_269], %swap3A_272 {strides = array<i32>} : memref<2x40x128xf32, #tpu.memory_space<vmem>>, vector<1x1x16xf32>,
      %get3A_273 = arith.constant 0 : i32
      %get3A_274 = arith.index_cast %get3A_273 : i32 to index
      %get3A_275 = arith.index_cast %scan3A_220 : i32 to index
      %get3A_276 = arith.constant 48 : index
      %get3A_277 = tpu.vector_load %arg11[%get3A_274, %get3A_275, %get3A_276] {strides = array<i32>} : memref<2x40x128xf32, #tpu.memory_space<vmem>>, vector<1x1x16xf32>,
      %get3A_278 = vector.shape_cast %get3A_277 : vector<1x1x16xf32> to vector<16xf32>
      %mul3A_279 = arith.mulf %get3A_231, %get3A_278 : vector<16xf32>
      %swap3A_280 = arith.constant 0 : i32
      %swap3A_281 = arith.index_cast %swap3A_280 : i32 to index
      %swap3A_282 = arith.index_cast %scan3A_220 : i32 to index
      %swap3A_283 = arith.constant 48 : index
      %swap3A_284 = tpu.vector_load %arg12[%swap3A_281, %swap3A_282, %swap3A_283] {strides = array<i32>} : memref<2x40x128xf32, #tpu.memory_space<vmem>>, vector<1x1x16xf32>,
      %swap3A_285 = vector.shape_cast %swap3A_284 : vector<1x1x16xf32> to vector<16xf32>
      %swap3A_286 = vector.shape_cast %mul3A_279 : vector<16xf32> to vector<1x1x16xf32>
      tpu.vector_store %arg12[%swap3A_281, %swap3A_282, %swap3A_283], %swap3A_286 {strides = array<i32>} : memref<2x40x128xf32, #tpu.memory_space<vmem>>, vector<1x1x16xf32>,
      %get3A_287 = arith.constant 0 : i32
      %get3A_288 = arith.index_cast %get3A_287 : i32 to index
      %get3A_289 = arith.index_cast %scan3A_220 : i32 to index
      %get3A_290 = arith.constant 64 : index
      %get3A_291 = tpu.vector_load %arg11[%get3A_288, %get3A_289, %get3A_290] {strides = array<i32>} : memref<2x40x128xf32, #tpu.memory_space<vmem>>, vector<1x1x16xf32>,
      %get3A_292 = vector.shape_cast %get3A_291 : vector<1x1x16xf32> to vector<16xf32>
      %mul3A_293 = arith.mulf %get3A_225, %get3A_292 : vector<16xf32>
      %swap3A_294 = arith.constant 0 : i32
      %swap3A_295 = arith.index_cast %swap3A_294 : i32 to index
      %swap3A_296 = arith.index_cast %scan3A_220 : i32 to index
      %swap3A_297 = arith.constant 64 : index
      %swap3A_298 = tpu.vector_load %arg12[%swap3A_295, %swap3A_296, %swap3A_297] {strides = array<i32>} : memref<2x40x128xf32, #tpu.memory_space<vmem>>, vector<1x1x16xf32>,
      %swap3A_299 = vector.shape_cast %swap3A_298 : vector<1x1x16xf32> to vector<16xf32>
      %swap3A_300 = vector.shape_cast %mul3A_293 : vector<16xf32> to vector<1x1x16xf32>
      tpu.vector_store %arg12[%swap3A_295, %swap3A_296, %swap3A_297], %swap3A_300 {strides = array<i32>} : memref<2x40x128xf32, #tpu.memory_space<vmem>>, vector<1x1x16xf32>,
      %get3A_301 = arith.constant 0 : i32
      %get3A_302 = arith.index_cast %get3A_301 : i32 to index
      %get3A_303 = arith.index_cast %scan3A_220 : i32 to index
      %get3A_304 = arith.constant 80 : index
      %get3A_305 = tpu.vector_load %arg11[%get3A_302, %get3A_303, %get3A_304] {strides = array<i32>} : memref<2x40x128xf32, #tpu.memory_space<vmem>>, vector<1x1x16xf32>,
      %get3A_306 = vector.shape_cast %get3A_305 : vector<1x1x16xf32> to vector<16xf32>
      %mul3A_307 = arith.mulf %get3A_231, %get3A_306 : vector<16xf32>
      %swap3A_308 = arith.constant 0 : i32
      %swap3A_309 = arith.index_cast %swap3A_308 : i32 to index
      %swap3A_310 = arith.index_cast %scan3A_220 : i32 to index
      %swap3A_311 = arith.constant 80 : index
      %swap3A_312 = tpu.vector_load %arg12[%swap3A_309, %swap3A_310, %swap3A_311] {strides = array<i32>} : memref<2x40x128xf32, #tpu.memory_space<vmem>>, vector<1x1x16xf32>,
      %swap3A_313 = vector.shape_cast %swap3A_312 : vector<1x1x16xf32> to vector<16xf32>
      %swap3A_314 = vector.shape_cast %mul3A_307 : vector<16xf32> to vector<1x1x16xf32>
      tpu.vector_store %arg12[%swap3A_309, %swap3A_310, %swap3A_311], %swap3A_314 {strides = array<i32>} : memref<2x40x128xf32, #tpu.memory_space<vmem>>, vector<1x1x16xf32>,
      %get3A_315 = arith.constant 0 : i32
      %get3A_316 = arith.index_cast %get3A_315 : i32 to index
      %get3A_317 = arith.index_cast %scan3A_220 : i32 to index
      %get3A_318 = arith.constant 96 : index
      %get3A_319 = tpu.vector_load %arg11[%get3A_316, %get3A_317, %get3A_318] {strides = array<i32>} : memref<2x40x128xf32, #tpu.memory_space<vmem>>, vector<1x1x16xf32>,
      %get3A_320 = vector.shape_cast %get3A_319 : vector<1x1x16xf32> to vector<16xf32>
      %mul3A_321 = arith.mulf %get3A_225, %get3A_320 : vector<16xf32>
      %swap3A_322 = arith.constant 0 : i32
      %swap3A_323 = arith.index_cast %swap3A_322 : i32 to index
      %swap3A_324 = arith.index_cast %scan3A_220 : i32 to index
      %swap3A_325 = arith.constant 96 : index
      %swap3A_326 = tpu.vector_load %arg12[%swap3A_323, %swap3A_324, %swap3A_325] {strides = array<i32>} : memref<2x40x128xf32, #tpu.memory_space<vmem>>, vector<1x1x16xf32>,
      %swap3A_327 = vector.shape_cast %swap3A_326 : vector<1x1x16xf32> to vector<16xf32>
      %swap3A_328 = vector.shape_cast %mul3A_321 : vector<16xf32> to vector<1x1x16xf32>
      tpu.vector_store %arg12[%swap3A_323, %swap3A_324, %swap3A_325], %swap3A_328 {strides = array<i32>} : memref<2x40x128xf32, #tpu.memory_space<vmem>>, vector<1x1x16xf32>,
      %get3A_329 = arith.constant 0 : i32
      %get3A_330 = arith.index_cast %get3A_329 : i32 to index
      %get3A_331 = arith.index_cast %scan3A_220 : i32 to index
      %get3A_332 = arith.constant 112 : index
      %get3A_333 = tpu.vector_load %arg11[%get3A_330, %get3A_331, %get3A_332] {strides = array<i32>} : memref<2x40x128xf32, #tpu.memory_space<vmem>>, vector<1x1x16xf32>,
      %get3A_334 = vector.shape_cast %get3A_333 : vector<1x1x16xf32> to vector<16xf32>
      %mul3A_335 = arith.mulf %get3A_231, %get3A_334 : vector<16xf32>
      %swap3A_336 = arith.constant 0 : i32
      %swap3A_337 = arith.index_cast %swap3A_336 : i32 to index
      %swap3A_338 = arith.index_cast %scan3A_220 : i32 to index
      %swap3A_339 = arith.constant 112 : index
      %swap3A_340 = tpu.vector_load %arg12[%swap3A_337, %swap3A_338, %swap3A_339] {strides = array<i32>} : memref<2x40x128xf32, #tpu.memory_space<vmem>>, vector<1x1x16xf32>,
      %swap3A_341 = vector.shape_cast %swap3A_340 : vector<1x1x16xf32> to vector<16xf32>
      %swap3A_342 = vector.shape_cast %mul3A_335 : vector<16xf32> to vector<1x1x16xf32>
      tpu.vector_store %arg12[%swap3A_337, %swap3A_338, %swap3A_339], %swap3A_342 {strides = array<i32>} : memref<2x40x128xf32, #tpu.memory_space<vmem>>, vector<1x1x16xf32>,
    }
    %scan3A_114 = arith.constant 40 : i32
    %dma_start3A_115 = arith.constant 0 : i32
    %dma_start3A_116 = arith.constant 248 : i32
    %dma_start3A_117 = arith.constant 0 : i32
    %dma_start3A_118 = arith.constant 0 : i32
    %dma_start3A_119 = tpu.memref_slice %arg12[%dma_start3A_115, %dma_start3A_117, %dma_start3A_118] : memref<2x40x128xf32, #tpu.memory_space<vmem>> -> memref<1x40x128xf32, #tpu.memory_space<vmem>>
    %dma_start3A_120 = tpu.memref_squeeze %dma_start3A_119 : memref<1x40x128xf32, #tpu.memory_space<vmem>> -> memref<40x128xf32, #tpu.memory_space<vmem>>
    %dma_start3A_121 = arith.constant 0 : i32
    %dma_start3A_122 = tpu.memref_slice %arg8[%dma_start3A_116, %dma_start3A_121] : memref<250x40xi32, #tpu.memory_space<vmem>> -> memref<1x40xi32, #tpu.memory_space<vmem>>
    %dma_start3A_123 = tpu.memref_squeeze %dma_start3A_122 : memref<1x40xi32, #tpu.memory_space<vmem>> -> memref<40xi32, #tpu.memory_space<vmem>>
    %dma_start3A_124 = arith.constant 0 : i32
    %dma_start3A_125 = arith.constant 0 : i32
    %dma_start3A_126 = tpu.memref_slice %arg13[%dma_start3A_124, %dma_start3A_125] : memref<10000x128xf32, #tpu.memory_space<vmem_shared>> -> memref<10000x128xf32, #tpu.memory_space<vmem_shared>>
    tpu.enqueue_indirect_dma source(%dma_start3A_120 : memref<40x128xf32, #tpu.memory_space<vmem>>) target(%dma_start3A_126 : memref<10000x128xf32, #tpu.memory_space<vmem_shared>>) offsets(%dma_start3A_123 : memref<40xi32, #tpu.memory_space<vmem>>) semaphore(%arg16 : memref<!tpu.dma_semaphore, #tpu.memory_space<semaphore_mem>>) {add = true}
    %dma_wait3A_127 = arith.constant 249 : i32
    %dma_wait3A_128 = arith.constant 1 : i32
    %dma_wait3A_129 = arith.constant 0 : i32
    %dma_wait3A_130 = arith.constant 0 : i32
    %dma_wait3A_131 = tpu.memref_slice %arg10[%dma_wait3A_128, %dma_wait3A_129, %dma_wait3A_130] : memref<2x40x32xf32, #tpu.memory_space<vmem>> -> memref<1x40x32xf32, #tpu.memory_space<vmem>>
    %dma_wait3A_132 = tpu.memref_squeeze %dma_wait3A_131 : memref<1x40x32xf32, #tpu.memory_space<vmem>> -> memref<40x32xf32, #tpu.memory_space<vmem>>
    %dma_wait3A_133 = arith.constant 0 : i32
    %dma_wait3A_134 = tpu.memref_slice %arg9[%dma_wait3A_127, %dma_wait3A_133] : memref<250x40xi32, #tpu.memory_space<vmem>> -> memref<1x40xi32, #tpu.memory_space<vmem>>
    %dma_wait3A_135 = tpu.memref_squeeze %dma_wait3A_134 : memref<1x40xi32, #tpu.memory_space<vmem>> -> memref<40xi32, #tpu.memory_space<vmem>>
    %dma_wait3A_136 = arith.constant 0 : i32
    %dma_wait3A_137 = arith.constant 0 : i32
    %dma_wait3A_138 = tpu.memref_slice %arg2[%dma_wait3A_136, %dma_wait3A_137] : memref<10000x32xf32, #tpu.memory_space<hbm>> -> memref<10000x32xf32, #tpu.memory_space<hbm>>
    tpu.wait_indirect_dma semaphore(%arg15 : memref<!tpu.dma_semaphore, #tpu.memory_space<semaphore_mem>>) src(%dma_wait3A_138 : memref<10000x32xf32, #tpu.memory_space<hbm>>) dst(%dma_wait3A_132 : memref<40x32xf32, #tpu.memory_space<vmem>>)
    %add3A_139 = arith.constant 249 : i32
    %add3A_140 = arith.addi %mul3A_2, %add3A_139 : i32
    %mul3A_141 = arith.constant 40 : i32
    %mul3A_142 = arith.muli %add3A_140, %mul3A_141 : i32
    %dma_wait3A_143 = arith.constant 1 : i32
    %dma_wait3A_144 = arith.constant 0 : i32
    %dma_wait3A_145 = arith.constant 0 : i32
    %dma_wait3A_146 = tpu.memref_slice %arg11[%dma_wait3A_143, %dma_wait3A_144, %dma_wait3A_145] : memref<2x40x128xf32, #tpu.memory_space<vmem>> -> memref<1x40x128xf32, #tpu.memory_space<vmem>>
    %dma_wait3A_147 = tpu.memref_squeeze %dma_wait3A_146 : memref<1x40x128xf32, #tpu.memory_space<vmem>> -> memref<40x128xf32, #tpu.memory_space<vmem>>
    %dma_wait3A_148 = arith.constant 0 : i32
    %dma_wait3A_149 = tpu.memref_slice %arg3[%mul3A_142, %dma_wait3A_148] : memref<320000x128xf32, #tpu.memory_space<hbm>> -> memref<40x128xf32, #tpu.memory_space<hbm>>
    %dma_wait3A_150 = arith.constant 0 : i32
    %dma_wait3A_151 = arith.constant 0 : i32
    %dma_wait3A_152 = tpu.memref_slice %arg11[%dma_wait3A_143, %dma_wait3A_150, %dma_wait3A_151] : memref<2x40x128xf32, #tpu.memory_space<vmem>> -> memref<1x40x128xf32, #tpu.memory_space<vmem>>
    %dma_wait3A_153 = tpu.memref_squeeze %dma_wait3A_152 : memref<1x40x128xf32, #tpu.memory_space<vmem>> -> memref<40x128xf32, #tpu.memory_space<vmem>>
    %dma_wait3A_154 = arith.constant 0 : i32
    %dma_wait3A_155 = tpu.memref_slice %arg3[%mul3A_142, %dma_wait3A_154] : memref<320000x128xf32, #tpu.memory_space<hbm>> -> memref<40x128xf32, #tpu.memory_space<hbm>>
    tpu.wait_dma2 semaphore(%arg15 : memref<!tpu.dma_semaphore, #tpu.memory_space<semaphore_mem>>) src(%dma_wait3A_155 : memref<40x128xf32, #tpu.memory_space<hbm>>) dst(%dma_wait3A_153 : memref<40x128xf32, #tpu.memory_space<vmem>>)
    %dma_wait3A_156 = arith.constant 1 : i32
    %dma_wait3A_157 = arith.constant 247 : i32
    %dma_wait3A_158 = arith.constant 0 : i32
    %dma_wait3A_159 = arith.constant 0 : i32
    %dma_wait3A_160 = tpu.memref_slice %arg12[%dma_wait3A_156, %dma_wait3A_158, %dma_wait3A_159] : memref<2x40x128xf32, #tpu.memory_space<vmem>> -> memref<1x40x128xf32, #tpu.memory_space<vmem>>
    %dma_wait3A_161 = tpu.memref_squeeze %dma_wait3A_160 : memref<1x40x128xf32, #tpu.memory_space<vmem>> -> memref<40x128xf32, #tpu.memory_space<vmem>>
    %dma_wait3A_162 = arith.constant 0 : i32
    %dma_wait3A_163 = tpu.memref_slice %arg8[%dma_wait3A_157, %dma_wait3A_162] : memref<250x40xi32, #tpu.memory_space<vmem>> -> memref<1x40xi32, #tpu.memory_space<vmem>>
    %dma_wait3A_164 = tpu.memref_squeeze %dma_wait3A_163 : memref<1x40xi32, #tpu.memory_space<vmem>> -> memref<40xi32, #tpu.memory_space<vmem>>
    %dma_wait3A_165 = arith.constant 0 : i32
    %dma_wait3A_166 = arith.constant 0 : i32
    %dma_wait3A_167 = tpu.memref_slice %arg13[%dma_wait3A_165, %dma_wait3A_166] : memref<10000x128xf32, #tpu.memory_space<vmem_shared>> -> memref<10000x128xf32, #tpu.memory_space<vmem_shared>>
    tpu.wait_indirect_dma semaphore(%arg17 : memref<!tpu.dma_semaphore, #tpu.memory_space<semaphore_mem>>) src(%dma_wait3A_161 : memref<40x128xf32, #tpu.memory_space<vmem>>) dst(%dma_wait3A_167 : memref<10000x128xf32, #tpu.memory_space<vmem_shared>>)
    %scan3A_168 = arith.constant 0 : i32
    %scan3A_169 = arith.constant 0 : i32
    %scan3A_170 = arith.constant 40 : i32
    %scan3A_171 = arith.addi %scan3A_169, %scan3A_170 : i32
    %scan3A_172 = arith.constant 1 : i32
    scf.for %scan3A_220 = %scan3A_169 to %scan3A_171 step %scan3A_172  : i32 {
      %get3A = arith.constant 1 : i32
      %get3A_221 = arith.index_cast %get3A : i32 to index
      %get3A_222 = arith.index_cast %scan3A_220 : i32 to index
      %get3A_223 = arith.constant 0 : index
      %get3A_224 = tpu.vector_load %arg10[%get3A_221, %get3A_222, %get3A_223] {strides = array<i32>} : memref<2x40x32xf32, #tpu.memory_space<vmem>>, vector<1x1x16xf32>,
      %get3A_225 = vector.shape_cast %get3A_224 : vector<1x1x16xf32> to vector<16xf32>
      %get3A_226 = arith.constant 1 : i32
      %get3A_227 = arith.index_cast %get3A_226 : i32 to index
      %get3A_228 = arith.index_cast %scan3A_220 : i32 to index
      %get3A_229 = arith.constant 16 : index
      %get3A_230 = tpu.vector_load %arg10[%get3A_227, %get3A_228, %get3A_229] {strides = array<i32>} : memref<2x40x32xf32, #tpu.memory_space<vmem>>, vector<1x1x16xf32>,
      %get3A_231 = vector.shape_cast %get3A_230 : vector<1x1x16xf32> to vector<16xf32>
      %get3A_232 = arith.constant 1 : i32
      %get3A_233 = arith.index_cast %get3A_232 : i32 to index
      %get3A_234 = arith.index_cast %scan3A_220 : i32 to index
      %get3A_235 = arith.constant 0 : index
      %get3A_236 = tpu.vector_load %arg11[%get3A_233, %get3A_234, %get3A_235] {strides = array<i32>} : memref<2x40x128xf32, #tpu.memory_space<vmem>>, vector<1x1x16xf32>,
      %get3A_237 = vector.shape_cast %get3A_236 : vector<1x1x16xf32> to vector<16xf32>
      %mul3A_238 = arith.mulf %get3A_225, %get3A_237 : vector<16xf32>
      %swap3A = arith.constant 1 : i32
      %swap3A_239 = arith.index_cast %swap3A : i32 to index
      %swap3A_240 = arith.index_cast %scan3A_220 : i32 to index
      %swap3A_241 = arith.constant 0 : index
      %swap3A_242 = tpu.vector_load %arg12[%swap3A_239, %swap3A_240, %swap3A_241] {strides = array<i32>} : memref<2x40x128xf32, #tpu.memory_space<vmem>>, vector<1x1x16xf32>,
      %swap3A_243 = vector.shape_cast %swap3A_242 : vector<1x1x16xf32> to vector<16xf32>
      %swap3A_244 = vector.shape_cast %mul3A_238 : vector<16xf32> to vector<1x1x16xf32>
      tpu.vector_store %arg12[%swap3A_239, %swap3A_240, %swap3A_241], %swap3A_244 {strides = array<i32>} : memref<2x40x128xf32, #tpu.memory_space<vmem>>, vector<1x1x16xf32>,
      %get3A_245 = arith.constant 1 : i32
      %get3A_246 = arith.index_cast %get3A_245 : i32 to index
      %get3A_247 = arith.index_cast %scan3A_220 : i32 to index
      %get3A_248 = arith.constant 16 : index
      %get3A_249 = tpu.vector_load %arg11[%get3A_246, %get3A_247, %get3A_248] {strides = array<i32>} : memref<2x40x128xf32, #tpu.memory_space<vmem>>, vector<1x1x16xf32>,
      %get3A_250 = vector.shape_cast %get3A_249 : vector<1x1x16xf32> to vector<16xf32>
      %mul3A_251 = arith.mulf %get3A_231, %get3A_250 : vector<16xf32>
      %swap3A_252 = arith.constant 1 : i32
      %swap3A_253 = arith.index_cast %swap3A_252 : i32 to index
      %swap3A_254 = arith.index_cast %scan3A_220 : i32 to index
      %swap3A_255 = arith.constant 16 : index
      %swap3A_256 = tpu.vector_load %arg12[%swap3A_253, %swap3A_254, %swap3A_255] {strides = array<i32>} : memref<2x40x128xf32, #tpu.memory_space<vmem>>, vector<1x1x16xf32>,
      %swap3A_257 = vector.shape_cast %swap3A_256 : vector<1x1x16xf32> to vector<16xf32>
      %swap3A_258 = vector.shape_cast %mul3A_251 : vector<16xf32> to vector<1x1x16xf32>
      tpu.vector_store %arg12[%swap3A_253, %swap3A_254, %swap3A_255], %swap3A_258 {strides = array<i32>} : memref<2x40x128xf32, #tpu.memory_space<vmem>>, vector<1x1x16xf32>,
      %get3A_259 = arith.constant 1 : i32
      %get3A_260 = arith.index_cast %get3A_259 : i32 to index
      %get3A_261 = arith.index_cast %scan3A_220 : i32 to index
      %get3A_262 = arith.constant 32 : index
      %get3A_263 = tpu.vector_load %arg11[%get3A_260, %get3A_261, %get3A_262] {strides = array<i32>} : memref<2x40x128xf32, #tpu.memory_space<vmem>>, vector<1x1x16xf32>,
      %get3A_264 = vector.shape_cast %get3A_263 : vector<1x1x16xf32> to vector<16xf32>
      %mul3A_265 = arith.mulf %get3A_225, %get3A_264 : vector<16xf32>
      %swap3A_266 = arith.constant 1 : i32
      %swap3A_267 = arith.index_cast %swap3A_266 : i32 to index
      %swap3A_268 = arith.index_cast %scan3A_220 : i32 to index
      %swap3A_269 = arith.constant 32 : index
      %swap3A_270 = tpu.vector_load %arg12[%swap3A_267, %swap3A_268, %swap3A_269] {strides = array<i32>} : memref<2x40x128xf32, #tpu.memory_space<vmem>>, vector<1x1x16xf32>,
      %swap3A_271 = vector.shape_cast %swap3A_270 : vector<1x1x16xf32> to vector<16xf32>
      %swap3A_272 = vector.shape_cast %mul3A_265 : vector<16xf32> to vector<1x1x16xf32>
      tpu.vector_store %arg12[%swap3A_267, %swap3A_268, %swap3A_269], %swap3A_272 {strides = array<i32>} : memref<2x40x128xf32, #tpu.memory_space<vmem>>, vector<1x1x16xf32>,
      %get3A_273 = arith.constant 1 : i32
      %get3A_274 = arith.index_cast %get3A_273 : i32 to index
      %get3A_275 = arith.index_cast %scan3A_220 : i32 to index
      %get3A_276 = arith.constant 48 : index
      %get3A_277 = tpu.vector_load %arg11[%get3A_274, %get3A_275, %get3A_276] {strides = array<i32>} : memref<2x40x128xf32, #tpu.memory_space<vmem>>, vector<1x1x16xf32>,
      %get3A_278 = vector.shape_cast %get3A_277 : vector<1x1x16xf32> to vector<16xf32>
      %mul3A_279 = arith.mulf %get3A_231, %get3A_278 : vector<16xf32>
      %swap3A_280 = arith.constant 1 : i32
      %swap3A_281 = arith.index_cast %swap3A_280 : i32 to index
      %swap3A_282 = arith.index_cast %scan3A_220 : i32 to index
      %swap3A_283 = arith.constant 48 : index
      %swap3A_284 = tpu.vector_load %arg12[%swap3A_281, %swap3A_282, %swap3A_283] {strides = array<i32>} : memref<2x40x128xf32, #tpu.memory_space<vmem>>, vector<1x1x16xf32>,
      %swap3A_285 = vector.shape_cast %swap3A_284 : vector<1x1x16xf32> to vector<16xf32>
      %swap3A_286 = vector.shape_cast %mul3A_279 : vector<16xf32> to vector<1x1x16xf32>
      tpu.vector_store %arg12[%swap3A_281, %swap3A_282, %swap3A_283], %swap3A_286 {strides = array<i32>} : memref<2x40x128xf32, #tpu.memory_space<vmem>>, vector<1x1x16xf32>,
      %get3A_287 = arith.constant 1 : i32
      %get3A_288 = arith.index_cast %get3A_287 : i32 to index
      %get3A_289 = arith.index_cast %scan3A_220 : i32 to index
      %get3A_290 = arith.constant 64 : index
      %get3A_291 = tpu.vector_load %arg11[%get3A_288, %get3A_289, %get3A_290] {strides = array<i32>} : memref<2x40x128xf32, #tpu.memory_space<vmem>>, vector<1x1x16xf32>,
      %get3A_292 = vector.shape_cast %get3A_291 : vector<1x1x16xf32> to vector<16xf32>
      %mul3A_293 = arith.mulf %get3A_225, %get3A_292 : vector<16xf32>
      %swap3A_294 = arith.constant 1 : i32
      %swap3A_295 = arith.index_cast %swap3A_294 : i32 to index
      %swap3A_296 = arith.index_cast %scan3A_220 : i32 to index
      %swap3A_297 = arith.constant 64 : index
      %swap3A_298 = tpu.vector_load %arg12[%swap3A_295, %swap3A_296, %swap3A_297] {strides = array<i32>} : memref<2x40x128xf32, #tpu.memory_space<vmem>>, vector<1x1x16xf32>,
      %swap3A_299 = vector.shape_cast %swap3A_298 : vector<1x1x16xf32> to vector<16xf32>
      %swap3A_300 = vector.shape_cast %mul3A_293 : vector<16xf32> to vector<1x1x16xf32>
      tpu.vector_store %arg12[%swap3A_295, %swap3A_296, %swap3A_297], %swap3A_300 {strides = array<i32>} : memref<2x40x128xf32, #tpu.memory_space<vmem>>, vector<1x1x16xf32>,
      %get3A_301 = arith.constant 1 : i32
      %get3A_302 = arith.index_cast %get3A_301 : i32 to index
      %get3A_303 = arith.index_cast %scan3A_220 : i32 to index
      %get3A_304 = arith.constant 80 : index
      %get3A_305 = tpu.vector_load %arg11[%get3A_302, %get3A_303, %get3A_304] {strides = array<i32>} : memref<2x40x128xf32, #tpu.memory_space<vmem>>, vector<1x1x16xf32>,
      %get3A_306 = vector.shape_cast %get3A_305 : vector<1x1x16xf32> to vector<16xf32>
      %mul3A_307 = arith.mulf %get3A_231, %get3A_306 : vector<16xf32>
      %swap3A_308 = arith.constant 1 : i32
      %swap3A_309 = arith.index_cast %swap3A_308 : i32 to index
      %swap3A_310 = arith.index_cast %scan3A_220 : i32 to index
      %swap3A_311 = arith.constant 80 : index
      %swap3A_312 = tpu.vector_load %arg12[%swap3A_309, %swap3A_310, %swap3A_311] {strides = array<i32>} : memref<2x40x128xf32, #tpu.memory_space<vmem>>, vector<1x1x16xf32>,
      %swap3A_313 = vector.shape_cast %swap3A_312 : vector<1x1x16xf32> to vector<16xf32>
      %swap3A_314 = vector.shape_cast %mul3A_307 : vector<16xf32> to vector<1x1x16xf32>
      tpu.vector_store %arg12[%swap3A_309, %swap3A_310, %swap3A_311], %swap3A_314 {strides = array<i32>} : memref<2x40x128xf32, #tpu.memory_space<vmem>>, vector<1x1x16xf32>,
      %get3A_315 = arith.constant 1 : i32
      %get3A_316 = arith.index_cast %get3A_315 : i32 to index
      %get3A_317 = arith.index_cast %scan3A_220 : i32 to index
      %get3A_318 = arith.constant 96 : index
      %get3A_319 = tpu.vector_load %arg11[%get3A_316, %get3A_317, %get3A_318] {strides = array<i32>} : memref<2x40x128xf32, #tpu.memory_space<vmem>>, vector<1x1x16xf32>,
      %get3A_320 = vector.shape_cast %get3A_319 : vector<1x1x16xf32> to vector<16xf32>
      %mul3A_321 = arith.mulf %get3A_225, %get3A_320 : vector<16xf32>
      %swap3A_322 = arith.constant 1 : i32
      %swap3A_323 = arith.index_cast %swap3A_322 : i32 to index
      %swap3A_324 = arith.index_cast %scan3A_220 : i32 to index
      %swap3A_325 = arith.constant 96 : index
      %swap3A_326 = tpu.vector_load %arg12[%swap3A_323, %swap3A_324, %swap3A_325] {strides = array<i32>} : memref<2x40x128xf32, #tpu.memory_space<vmem>>, vector<1x1x16xf32>,
      %swap3A_327 = vector.shape_cast %swap3A_326 : vector<1x1x16xf32> to vector<16xf32>
      %swap3A_328 = vector.shape_cast %mul3A_321 : vector<16xf32> to vector<1x1x16xf32>
      tpu.vector_store %arg12[%swap3A_323, %swap3A_324, %swap3A_325], %swap3A_328 {strides = array<i32>} : memref<2x40x128xf32, #tpu.memory_space<vmem>>, vector<1x1x16xf32>,
      %get3A_329 = arith.constant 1 : i32
      %get3A_330 = arith.index_cast %get3A_329 : i32 to index
      %get3A_331 = arith.index_cast %scan3A_220 : i32 to index
      %get3A_332 = arith.constant 112 : index
      %get3A_333 = tpu.vector_load %arg11[%get3A_330, %get3A_331, %get3A_332] {strides = array<i32>} : memref<2x40x128xf32, #tpu.memory_space<vmem>>, vector<1x1x16xf32>,
      %get3A_334 = vector.shape_cast %get3A_333 : vector<1x1x16xf32> to vector<16xf32>
      %mul3A_335 = arith.mulf %get3A_231, %get3A_334 : vector<16xf32>
      %swap3A_336 = arith.constant 1 : i32
      %swap3A_337 = arith.index_cast %swap3A_336 : i32 to index
      %swap3A_338 = arith.index_cast %scan3A_220 : i32 to index
      %swap3A_339 = arith.constant 112 : index
      %swap3A_340 = tpu.vector_load %arg12[%swap3A_337, %swap3A_338, %swap3A_339] {strides = array<i32>} : memref<2x40x128xf32, #tpu.memory_space<vmem>>, vector<1x1x16xf32>,
      %swap3A_341 = vector.shape_cast %swap3A_340 : vector<1x1x16xf32> to vector<16xf32>
      %swap3A_342 = vector.shape_cast %mul3A_335 : vector<16xf32> to vector<1x1x16xf32>
      tpu.vector_store %arg12[%swap3A_337, %swap3A_338, %swap3A_339], %swap3A_342 {strides = array<i32>} : memref<2x40x128xf32, #tpu.memory_space<vmem>>, vector<1x1x16xf32>,
    }
    %scan3A_173 = arith.constant 40 : i32
    %dma_start3A_174 = arith.constant 1 : i32
    %dma_start3A_175 = arith.constant 249 : i32
    %dma_start3A_176 = arith.constant 0 : i32
    %dma_start3A_177 = arith.constant 0 : i32
    %dma_start3A_178 = tpu.memref_slice %arg12[%dma_start3A_174, %dma_start3A_176, %dma_start3A_177] : memref<2x40x128xf32, #tpu.memory_space<vmem>> -> memref<1x40x128xf32, #tpu.memory_space<vmem>>
    %dma_start3A_179 = tpu.memref_squeeze %dma_start3A_178 : memref<1x40x128xf32, #tpu.memory_space<vmem>> -> memref<40x128xf32, #tpu.memory_space<vmem>>
    %dma_start3A_180 = arith.constant 0 : i32
    %dma_start3A_181 = tpu.memref_slice %arg8[%dma_start3A_175, %dma_start3A_180] : memref<250x40xi32, #tpu.memory_space<vmem>> -> memref<1x40xi32, #tpu.memory_space<vmem>>
    %dma_start3A_182 = tpu.memref_squeeze %dma_start3A_181 : memref<1x40xi32, #tpu.memory_space<vmem>> -> memref<40xi32, #tpu.memory_space<vmem>>
    %dma_start3A_183 = arith.constant 0 : i32
    %dma_start3A_184 = arith.constant 0 : i32
    %dma_start3A_185 = tpu.memref_slice %arg13[%dma_start3A_183, %dma_start3A_184] : memref<10000x128xf32, #tpu.memory_space<vmem_shared>> -> memref<10000x128xf32, #tpu.memory_space<vmem_shared>>
    tpu.enqueue_indirect_dma source(%dma_start3A_179 : memref<40x128xf32, #tpu.memory_space<vmem>>) target(%dma_start3A_185 : memref<10000x128xf32, #tpu.memory_space<vmem_shared>>) offsets(%dma_start3A_182 : memref<40xi32, #tpu.memory_space<vmem>>) semaphore(%arg17 : memref<!tpu.dma_semaphore, #tpu.memory_space<semaphore_mem>>) {add = true}
    %dma_wait3A_186 = arith.constant 0 : i32
    %dma_wait3A_187 = arith.constant 248 : i32
    %dma_wait3A_188 = arith.constant 0 : i32
    %dma_wait3A_189 = arith.constant 0 : i32
    %dma_wait3A_190 = tpu.memref_slice %arg12[%dma_wait3A_186, %dma_wait3A_188, %dma_wait3A_189] : memref<2x40x128xf32, #tpu.memory_space<vmem>> -> memref<1x40x128xf32, #tpu.memory_space<vmem>>
    %dma_wait3A_191 = tpu.memref_squeeze %dma_wait3A_190 : memref<1x40x128xf32, #tpu.memory_space<vmem>> -> memref<40x128xf32, #tpu.memory_space<vmem>>
    %dma_wait3A_192 = arith.constant 0 : i32
    %dma_wait3A_193 = tpu.memref_slice %arg8[%dma_wait3A_187, %dma_wait3A_192] : memref<250x40xi32, #tpu.memory_space<vmem>> -> memref<1x40xi32, #tpu.memory_space<vmem>>
    %dma_wait3A_194 = tpu.memref_squeeze %dma_wait3A_193 : memref<1x40xi32, #tpu.memory_space<vmem>> -> memref<40xi32, #tpu.memory_space<vmem>>
    %dma_wait3A_195 = arith.constant 0 : i32
    %dma_wait3A_196 = arith.constant 0 : i32
    %dma_wait3A_197 = tpu.memref_slice %arg13[%dma_wait3A_195, %dma_wait3A_196] : memref<10000x128xf32, #tpu.memory_space<vmem_shared>> -> memref<10000x128xf32, #tpu.memory_space<vmem_shared>>
    tpu.wait_indirect_dma semaphore(%arg16 : memref<!tpu.dma_semaphore, #tpu.memory_space<semaphore_mem>>) src(%dma_wait3A_191 : memref<40x128xf32, #tpu.memory_space<vmem>>) dst(%dma_wait3A_197 : memref<10000x128xf32, #tpu.memory_space<vmem_shared>>)
    %dma_wait3A_198 = arith.constant 1 : i32
    %dma_wait3A_199 = arith.constant 249 : i32
    %dma_wait3A_200 = arith.constant 0 : i32
    %dma_wait3A_201 = arith.constant 0 : i32
    %dma_wait3A_202 = tpu.memref_slice %arg12[%dma_wait3A_198, %dma_wait3A_200, %dma_wait3A_201] : memref<2x40x128xf32, #tpu.memory_space<vmem>> -> memref<1x40x128xf32, #tpu.memory_space<vmem>>
    %dma_wait3A_203 = tpu.memref_squeeze %dma_wait3A_202 : memref<1x40x128xf32, #tpu.memory_space<vmem>> -> memref<40x128xf32, #tpu.memory_space<vmem>>
    %dma_wait3A_204 = arith.constant 0 : i32
    %dma_wait3A_205 = tpu.memref_slice %arg8[%dma_wait3A_199, %dma_wait3A_204] : memref<250x40xi32, #tpu.memory_space<vmem>> -> memref<1x40xi32, #tpu.memory_space<vmem>>
    %dma_wait3A_206 = tpu.memref_squeeze %dma_wait3A_205 : memref<1x40xi32, #tpu.memory_space<vmem>> -> memref<40xi32, #tpu.memory_space<vmem>>
    %dma_wait3A_207 = arith.constant 0 : i32
    %dma_wait3A_208 = arith.constant 0 : i32
    %dma_wait3A_209 = tpu.memref_slice %arg13[%dma_wait3A_207, %dma_wait3A_208] : memref<10000x128xf32, #tpu.memory_space<vmem_shared>> -> memref<10000x128xf32, #tpu.memory_space<vmem_shared>>
    tpu.wait_indirect_dma semaphore(%arg17 : memref<!tpu.dma_semaphore, #tpu.memory_space<semaphore_mem>>) src(%dma_wait3A_203 : memref<40x128xf32, #tpu.memory_space<vmem>>) dst(%dma_wait3A_209 : memref<10000x128xf32, #tpu.memory_space<vmem_shared>>)
    %barrier3A_210 = arith.constant 0 : index
    tpu.barrier barrier_id(%barrier3A_210)
    %mul3A_211 = arith.constant 624 : i32
    %mul3A_212 = arith.muli %arg1, %mul3A_211 : i32
    %mul3A_213 = arith.constant 624 : i32
    %mul3A_214 = arith.muli %arg1, %mul3A_213 : i32
    "tpu.region"() ({
      %run_scoped3A = tpu.sem_alloc : memref<!tpu.dma_semaphore, #tpu.memory_space<semaphore_mem>>
      %dma_start3A_220 = arith.constant 0 : i32
      %dma_start3A_221 = tpu.memref_slice %arg7[%arg0, %mul3A_214, %dma_start3A_220] : memref<2x10000x128xf32, #tpu.memory_space<hbm>> -> memref<1x624x128xf32, #tpu.memory_space<hbm>>
      %dma_start3A_222 = tpu.memref_squeeze %dma_start3A_221 : memref<1x624x128xf32, #tpu.memory_space<hbm>> -> memref<624x128xf32, #tpu.memory_space<hbm>>
      %dma_start3A_223 = arith.constant 0 : i32
      %dma_start3A_224 = tpu.memref_slice %arg13[%mul3A_212, %dma_start3A_223] : memref<10000x128xf32, #tpu.memory_space<vmem_shared>> -> memref<624x128xf32, #tpu.memory_space<vmem_shared>>
      tpu.enqueue_dma source(%dma_start3A_224 : memref<624x128xf32, #tpu.memory_space<vmem_shared>>) target(%dma_start3A_222 : memref<624x128xf32, #tpu.memory_space<hbm>>) target_semaphore(%run_scoped3A : memref<!tpu.dma_semaphore, #tpu.memory_space<semaphore_mem>>)
      %dma_wait3A_225 = arith.constant 0 : i32
      %dma_wait3A_226 = tpu.memref_slice %arg7[%arg0, %mul3A_214, %dma_wait3A_225] : memref<2x10000x128xf32, #tpu.memory_space<hbm>> -> memref<1x624x128xf32, #tpu.memory_space<hbm>>
      %dma_wait3A_227 = tpu.memref_squeeze %dma_wait3A_226 : memref<1x624x128xf32, #tpu.memory_space<hbm>> -> memref<624x128xf32, #tpu.memory_space<hbm>>
      %dma_wait3A_228 = arith.constant 0 : i32
      %dma_wait3A_229 = tpu.memref_slice %arg13[%mul3A_212, %dma_wait3A_228] : memref<10000x128xf32, #tpu.memory_space<vmem_shared>> -> memref<624x128xf32, #tpu.memory_space<vmem_shared>>
      tpu.wait_dma2 semaphore(%run_scoped3A : memref<!tpu.dma_semaphore, #tpu.memory_space<semaphore_mem>>) src(%dma_wait3A_229 : memref<624x128xf32, #tpu.memory_space<vmem_shared>>) dst(%dma_wait3A_227 : memref<624x128xf32, #tpu.memory_space<hbm>>)
      tpu.yield
    }) : () -> ()
    %eq3A_215 = arith.constant 0 : i32
    %eq3A_216 = arith.cmpi eq, %arg1, %eq3A_215 : i32
    %convert_element_type3A_217 = arith.extui %eq3A_216 : i1 to i32
    %cond3A_218 = arith.constant 0 : i32
    %cond3A_219 = arith.cmpi ne, %convert_element_type3A_217, %cond3A_218 : i32
    scf.if %cond3A_219 {
      "tpu.region"() ({
        %run_scoped3A = tpu.sem_alloc : memref<!tpu.dma_semaphore, #tpu.memory_space<semaphore_mem>>
        %dma_start3A_220 = arith.constant 9984 : i32
        %dma_start3A_221 = arith.constant 0 : i32
        %dma_start3A_222 = tpu.memref_slice %arg7[%arg0, %dma_start3A_220, %dma_start3A_221] : memref<2x10000x128xf32, #tpu.memory_space<hbm>> -> memref<1x16x128xf32, #tpu.memory_space<hbm>>
        %dma_start3A_223 = tpu.memref_squeeze %dma_start3A_222 : memref<1x16x128xf32, #tpu.memory_space<hbm>> -> memref<16x128xf32, #tpu.memory_space<hbm>>
        %dma_start3A_224 = arith.constant 9984 : i32
        %dma_start3A_225 = arith.constant 0 : i32
        %dma_start3A_226 = tpu.memref_slice %arg13[%dma_start3A_224, %dma_start3A_225] : memref<10000x128xf32, #tpu.memory_space<vmem_shared>> -> memref<16x128xf32, #tpu.memory_space<vmem_shared>>
        tpu.enqueue_dma source(%dma_start3A_226 : memref<16x128xf32, #tpu.memory_space<vmem_shared>>) target(%dma_start3A_223 : memref<16x128xf32, #tpu.memory_space<hbm>>) target_semaphore(%run_scoped3A : memref<!tpu.dma_semaphore, #tpu.memory_space<semaphore_mem>>)
        %dma_wait3A_227 = arith.constant 9984 : i32
        %dma_wait3A_228 = arith.constant 0 : i32
        %dma_wait3A_229 = tpu.memref_slice %arg7[%arg0, %dma_wait3A_227, %dma_wait3A_228] : memref<2x10000x128xf32, #tpu.memory_space<hbm>> -> memref<1x16x128xf32, #tpu.memory_space<hbm>>
        %dma_wait3A_230 = tpu.memref_squeeze %dma_wait3A_229 : memref<1x16x128xf32, #tpu.memory_space<hbm>> -> memref<16x128xf32, #tpu.memory_space<hbm>>
        %dma_wait3A_231 = arith.constant 9984 : i32
        %dma_wait3A_232 = arith.constant 0 : i32
        %dma_wait3A_233 = tpu.memref_slice %arg13[%dma_wait3A_231, %dma_wait3A_232] : memref<10000x128xf32, #tpu.memory_space<vmem_shared>> -> memref<16x128xf32, #tpu.memory_space<vmem_shared>>
        tpu.wait_dma2 semaphore(%run_scoped3A : memref<!tpu.dma_semaphore, #tpu.memory_space<semaphore_mem>>) src(%dma_wait3A_233 : memref<16x128xf32, #tpu.memory_space<vmem_shared>>) dst(%dma_wait3A_230 : memref<16x128xf32, #tpu.memory_space<hbm>>)
        tpu.yield
      }) : () -> ()
    } else {
    }
    return
  }
}

module attributes {stable_mosaic.version = 14 : i64} {
  func.func @_node_linear_body(%arg0: memref<10000x32xf32, #tpu.memory_space<vmem>>, %arg1: memref<32x32xf32, #tpu.memory_space<vmem>>, %arg2: memref<10000x32xf32, #tpu.memory_space<vmem>>) attributes {dimension_semantics = [], scalar_prefetch = 0 : i64, scratch_operands = 0 : i64, tpu.core_type = #tpu.core_type<tc>} {
    %get3A = arith.constant 0 : index
    %get3A_0 = arith.constant 0 : index
    %get3A_1 = vector.load %arg0[%get3A, %get3A_0] : memref<10000x32xf32, #tpu.memory_space<vmem>>, vector<10000x32xf32>
    %get3A_2 = arith.constant 0 : index
    %get3A_3 = arith.constant 0 : index
    %get3A_4 = vector.load %arg1[%get3A_2, %get3A_3] : memref<32x32xf32, #tpu.memory_space<vmem>>, vector<32x32xf32>
    %dot_general3A = arith.constant dense<0.000000e+00> : vector<10000x32xf32>
    %dot_general3A_5 = tpu.matmul %get3A_1, %get3A_4, %dot_general3A {dimension_numbers = #tpu.dot_dimension_numbers<[1], [0], [0], [1], [0, 0, 1, 1], [], []>, transpose_lhs_hint = false} : vector<10000x32xf32>, vector<32x32xf32>, vector<10000x32xf32> -> vector<10000x32xf32>
    %mul3A = arith.constant 0.176776692 : f32
    %mul3A_6 = vector.broadcast %mul3A : f32 to vector<10000x32xf32>
    %mul3A_7 = arith.mulf %dot_general3A_5, %mul3A_6 : vector<10000x32xf32>
    %swap3A = arith.constant 0 : index
    %swap3A_8 = arith.constant 0 : index
    %swap3A_9 = vector.load %arg2[%swap3A, %swap3A_8] : memref<10000x32xf32, #tpu.memory_space<vmem>>, vector<10000x32xf32>
    tpu.vector_store %arg2[%swap3A, %swap3A_8], %mul3A_7 {strides = array<i32>} : memref<10000x32xf32, #tpu.memory_space<vmem>>, vector<10000x32xf32>,
    return
  }
}

module attributes {stable_mosaic.version = 14 : i64} {
  func.func @_edge_prep_body(%arg0: i32, %arg1: memref<12x2560xf32, #tpu.memory_space<vmem>>, %arg2: memref<3x2560xf32, #tpu.memory_space<vmem>>, %arg3: memref<12x128xf32, #tpu.memory_space<vmem>>, %arg4: memref<2560x128xf32, #tpu.memory_space<vmem>>) attributes {dimension_semantics = [#tpu.dimension_semantics<arbitrary>], iteration_bounds = array<i64: 125>, scalar_prefetch = 0 : i64, scratch_operands = 0 : i64, tpu.core_type = #tpu.core_type<tc>, window_params = [{transform_indices = @transform_0, window_bounds = array<i64: 12, 2560>}, {transform_indices = @transform_1, window_bounds = array<i64: 3, 2560>}, {pipeline_mode = #tpu.pipeline_mode<synchronous>, transform_indices = @transform_2, window_bounds = array<i64: 12, 128>}, {transform_indices = @transform_3, window_bounds = array<i64: 2560, 128>}]} {
    %get3A = arith.constant 0 : index
    %get3A_0 = arith.constant 0 : index
    %get3A_1 = vector.load %arg2[%get3A, %get3A_0] : memref<3x2560xf32, #tpu.memory_space<vmem>>, vector<3x2560xf32>
    %mul3A = arith.mulf %get3A_1, %get3A_1 : vector<3x2560xf32>
    %reduce_sum3A = arith.constant dense<0.000000e+00> : vector<2560xf32>
    %reduce_sum3A_2 = vector.multi_reduction <add>, %mul3A, %reduce_sum3A [0] : vector<3x2560xf32> to vector<2560xf32>
    %broadcast_in_dim3A = vector.shape_cast %reduce_sum3A_2 : vector<2560xf32> to vector<1x2560xf32>
    %sqrt3A = math.sqrt %broadcast_in_dim3A : vector<1x2560xf32>
    %add3A = arith.constant 9.99999996E-13 : f32
    %add3A_3 = vector.broadcast %add3A : f32 to vector<1x2560xf32>
    %add3A_4 = arith.addf %sqrt3A, %add3A_3 : vector<1x2560xf32>
    %div3A = arith.constant 1.73205078 : f32
    %div3A_5 = vector.broadcast %div3A : f32 to vector<1x2560xf32>
    %div3A_6 = arith.divf %div3A_5, %add3A_4 : vector<1x2560xf32>
    %broadcast_in_dim3A_7 = arith.constant 1.000000e+00 : f32
    %broadcast_in_dim3A_8 = vector.broadcast %broadcast_in_dim3A_7 : f32 to vector<1x2560xf32>
    %mul3A_9 = vector.broadcast %div3A_6 : vector<1x2560xf32> to vector<3x2560xf32>
    %mul3A_10 = arith.mulf %get3A_1, %mul3A_9 : vector<3x2560xf32>
    %concatenate3A = tpu.concatenate %broadcast_in_dim3A_8, %mul3A_10 in 0 : vector<1x2560xf32>, vector<3x2560xf32> -> vector<4x2560xf32>
    %get3A_11 = arith.constant 0 : index
    %get3A_12 = arith.constant 0 : index
    %get3A_13 = vector.load %arg1[%get3A_11, %get3A_12] : memref<12x2560xf32, #tpu.memory_space<vmem>>, vector<12x2560xf32>
    %get3A_14 = arith.constant 0 : index
    %get3A_15 = arith.constant 0 : index
    %get3A_16 = vector.load %arg3[%get3A_14, %get3A_15] : memref<12x128xf32, #tpu.memory_space<vmem>>, vector<12x128xf32>
    %dot_general3A = arith.constant dense<0.000000e+00> : vector<2560x128xf32>
    %dot_general3A_17 = tpu.matmul %get3A_13, %get3A_16, %dot_general3A {dimension_numbers = #tpu.dot_dimension_numbers<[0], [0], [1], [1], [0, 1, 1, 1], [], []>, transpose_lhs_hint = false} : vector<12x2560xf32>, vector<12x128xf32>, vector<2560x128xf32> -> vector<2560x128xf32>
    %iota3A = tpu.iota {dimensions = array<i32: 0>} : vector<4x128xi32>
    %iota3A_18 = tpu.iota {dimensions = array<i32: 1>} : vector<4x128xi32>
    %jit3A = arith.constant 32 : i32
    %div3A_19 = vector.broadcast %jit3A : i32 to vector<4x128xi32>
    %div3A_20 = arith.divsi %iota3A_18, %div3A_19 : vector<4x128xi32>
    %sign3A = arith.constant 0 : i32
    %sign3A_21 = vector.broadcast %sign3A : i32 to vector<4x128xi32>
    %sign3A_22 = arith.cmpi sgt, %iota3A_18, %sign3A_21 : vector<4x128xi32>
    %sign3A_23 = arith.extui %sign3A_22 : vector<4x128xi1> to vector<4x128xi32>
    %sign3A_24 = arith.constant 0 : i32
    %sign3A_25 = vector.broadcast %sign3A_24 : i32 to vector<4x128xi32>
    %sign3A_26 = arith.cmpi slt, %iota3A_18, %sign3A_25 : vector<4x128xi32>
    %sign3A_27 = arith.extui %sign3A_26 : vector<4x128xi1> to vector<4x128xi32>
    %sign3A_28 = arith.subi %sign3A_23, %sign3A_27 : vector<4x128xi32>
    %sign3A_29 = arith.constant 0 : i32
    %sign3A_30 = arith.cmpi sgt, %jit3A, %sign3A_29 : i32
    %sign3A_31 = arith.extui %sign3A_30 : i1 to i32
    %sign3A_32 = arith.constant 0 : i32
    %sign3A_33 = arith.cmpi slt, %jit3A, %sign3A_32 : i32
    %sign3A_34 = arith.extui %sign3A_33 : i1 to i32
    %sign3A_35 = arith.subi %sign3A_31, %sign3A_34 : i32
    %ne3A = vector.broadcast %sign3A_35 : i32 to vector<4x128xi32>
    %ne3A_36 = arith.cmpi ne, %sign3A_28, %ne3A : vector<4x128xi32>
    %rem3A = vector.broadcast %jit3A : i32 to vector<4x128xi32>
    %rem3A_37 = arith.remsi %iota3A_18, %rem3A : vector<4x128xi32>
    %ne3A_38 = arith.constant 0 : i32
    %ne3A_39 = vector.broadcast %ne3A_38 : i32 to vector<4x128xi32>
    %ne3A_40 = arith.cmpi ne, %rem3A_37, %ne3A_39 : vector<4x128xi32>
    %and3A = arith.andi %ne3A_36, %ne3A_40 : vector<4x128xi1>
    %sub3A = arith.constant 1 : i32
    %sub3A_41 = vector.broadcast %sub3A : i32 to vector<4x128xi32>
    %sub3A_42 = arith.subi %div3A_20, %sub3A_41 : vector<4x128xi32>
    %select_n3A = arith.select %and3A, %sub3A_42, %div3A_20 : vector<4x128xi1>, vector<4x128xi32>
    %eq3A = arith.cmpi eq, %select_n3A, %iota3A : vector<4x128xi32>
    %convert_element_type3A = arith.extui %eq3A : vector<4x128xi1> to vector<4x128xi32>
    %convert_element_type3A_43 = arith.sitofp %convert_element_type3A : vector<4x128xi32> to vector<4x128xf32>
    %dot_general3A_44 = arith.constant dense<0.000000e+00> : vector<2560x128xf32>
    %dot_general3A_45 = tpu.matmul %concatenate3A, %convert_element_type3A_43, %dot_general3A_44 {dimension_numbers = #tpu.dot_dimension_numbers<[0], [0], [1], [1], [0, 1, 1, 1], [], []>, transpose_lhs_hint = false} : vector<4x2560xf32>, vector<4x128xf32>, vector<2560x128xf32> -> vector<2560x128xf32>
    %mul3A_46 = arith.mulf %dot_general3A_17, %dot_general3A_45 : vector<2560x128xf32>
    %swap3A = arith.constant 0 : index
    %swap3A_47 = arith.constant 0 : index
    %swap3A_48 = vector.load %arg4[%swap3A, %swap3A_47] : memref<2560x128xf32, #tpu.memory_space<vmem>>, vector<2560x128xf32>
    tpu.vector_store %arg4[%swap3A, %swap3A_47], %mul3A_46 {strides = array<i32>} : memref<2560x128xf32, #tpu.memory_space<vmem>>, vector<2560x128xf32>,
    return
  }
  func.func @transform_0(%arg0: i32) -> (i32, i32) {
    %c0_i32 = arith.constant 0 : i32
    %c0_i32_0 = arith.constant 0 : i32
    return %c0_i32, %arg0 : i32, i32
  }
  func.func @transform_1(%arg0: i32) -> (i32, i32) {
    %c0_i32 = arith.constant 0 : i32
    %c0_i32_0 = arith.constant 0 : i32
    return %c0_i32, %arg0 : i32, i32
  }
  func.func @transform_2(%arg0: i32) -> (i32, i32) {
    %c0_i32 = arith.constant 0 : i32
    %c0_i32_0 = arith.constant 0 : i32
    %c0_i32_1 = arith.constant 0 : i32
    return %c0_i32, %c0_i32_0 : i32, i32
  }
  func.func @transform_3(%arg0: i32) -> (i32, i32) {
    %c0_i32 = arith.constant 0 : i32
    %c0_i32_0 = arith.constant 0 : i32
    return %arg0, %c0_i32 : i32, i32
  }
}

module attributes {stable_mosaic.version = 14 : i64} {
  func.func @_finish_body(%arg0: i32, %arg1: memref<2x2000x128xf32, #tpu.memory_space<vmem>>, %arg2: memref<2000x32xf32, #tpu.memory_space<vmem>>, %arg3: memref<32x48xf32, #tpu.memory_space<vmem>>, %arg4: memref<32x48xf32, #tpu.memory_space<vmem>>, %arg5: memref<32x16xf32, #tpu.memory_space<vmem>>, %arg6: memref<2000x32xf32, #tpu.memory_space<vmem>>, %arg7: memref<2000x48xf32, #tpu.memory_space<vmem>>) attributes {dimension_semantics = [#tpu.dimension_semantics<arbitrary>], iteration_bounds = array<i64: 5>, scalar_prefetch = 0 : i64, scratch_operands = 0 : i64, tpu.core_type = #tpu.core_type<tc>, window_params = [{transform_indices = @transform_0, window_bounds = array<i64: 2, 2000, 128>}, {transform_indices = @transform_1, window_bounds = array<i64: 2000, 32>}, {pipeline_mode = #tpu.pipeline_mode<synchronous>, transform_indices = @transform_2, window_bounds = array<i64: 32, 48>}, {pipeline_mode = #tpu.pipeline_mode<synchronous>, transform_indices = @transform_3, window_bounds = array<i64: 32, 48>}, {pipeline_mode = #tpu.pipeline_mode<synchronous>, transform_indices = @transform_4, window_bounds = array<i64: 32, 16>}, {transform_indices = @transform_5, window_bounds = array<i64: 2000, 32>}, {transform_indices = @transform_6, window_bounds = array<i64: 2000, 48>}]} {
    %get3A = arith.constant 0 : index
    %get3A_0 = arith.constant 0 : index
    %get3A_1 = arith.constant 0 : index
    %get3A_2 = vector.load %arg1[%get3A, %get3A_0, %get3A_1] : memref<2x2000x128xf32, #tpu.memory_space<vmem>>, vector<1x2000x128xf32>
    %get3A_3 = vector.shape_cast %get3A_2 : vector<1x2000x128xf32> to vector<2000x128xf32>
    %get3A_4 = arith.constant 1 : index
    %get3A_5 = arith.constant 0 : index
    %get3A_6 = arith.constant 0 : index
    %get3A_7 = vector.load %arg1[%get3A_4, %get3A_5, %get3A_6] : memref<2x2000x128xf32, #tpu.memory_space<vmem>>, vector<1x2000x128xf32>
    %get3A_8 = vector.shape_cast %get3A_7 : vector<1x2000x128xf32> to vector<2000x128xf32>
    %add3A = arith.addf %get3A_3, %get3A_8 : vector<2000x128xf32>
    %slice3A = vector.extract_strided_slice %add3A {offsets = [0, 0], sizes = [2000, 32], strides = [1, 1]} : vector<2000x128xf32> to vector<2000x32xf32>
    %get3A_9 = arith.constant 0 : index
    %get3A_10 = arith.constant 0 : index
    %get3A_11 = vector.load %arg4[%get3A_9, %get3A_10] : memref<32x48xf32, #tpu.memory_space<vmem>>, vector<32x48xf32>
    %dot_general3A = arith.constant dense<0.000000e+00> : vector<2000x48xf32>
    %dot_general3A_12 = tpu.matmul %slice3A, %get3A_11, %dot_general3A {dimension_numbers = #tpu.dot_dimension_numbers<[1], [0], [0], [1], [0, 0, 1, 1], [], []>, transpose_lhs_hint = false} : vector<2000x32xf32>, vector<32x48xf32>, vector<2000x48xf32> -> vector<2000x48xf32>
    %mul3A = arith.constant 0.176776692 : f32
    %mul3A_13 = vector.broadcast %mul3A : f32 to vector<2000x48xf32>
    %mul3A_14 = arith.mulf %dot_general3A_12, %mul3A_13 : vector<2000x48xf32>
    %get3A_15 = arith.constant 0 : index
    %get3A_16 = arith.constant 0 : index
    %get3A_17 = vector.load %arg2[%get3A_15, %get3A_16] : memref<2000x32xf32, #tpu.memory_space<vmem>>, vector<2000x32xf32>
    %get3A_18 = arith.constant 0 : index
    %get3A_19 = arith.constant 0 : index
    %get3A_20 = vector.load %arg3[%get3A_18, %get3A_19] : memref<32x48xf32, #tpu.memory_space<vmem>>, vector<32x48xf32>
    %dot_general3A_21 = arith.constant dense<0.000000e+00> : vector<2000x48xf32>
    %dot_general3A_22 = tpu.matmul %get3A_17, %get3A_20, %dot_general3A_21 {dimension_numbers = #tpu.dot_dimension_numbers<[1], [0], [0], [1], [0, 0, 1, 1], [], []>, transpose_lhs_hint = false} : vector<2000x32xf32>, vector<32x48xf32>, vector<2000x48xf32> -> vector<2000x48xf32>
    %mul3A_23 = arith.constant 0.176776692 : f32
    %mul3A_24 = vector.broadcast %mul3A_23 : f32 to vector<2000x48xf32>
    %mul3A_25 = arith.mulf %dot_general3A_22, %mul3A_24 : vector<2000x48xf32>
    %add3A_26 = arith.addf %mul3A_14, %mul3A_25 : vector<2000x48xf32>
    %slice3A_27 = vector.extract_strided_slice %add3A_26 {offsets = [0, 0], sizes = [2000, 32], strides = [1, 1]} : vector<2000x48xf32> to vector<2000x32xf32>
    %logistic3A = arith.negf %slice3A_27 : vector<2000x32xf32>
    %logistic3A_28 = math.exp %logistic3A : vector<2000x32xf32>
    %logistic3A_29 = arith.constant 1.000000e+00 : f32
    %logistic3A_30 = vector.broadcast %logistic3A_29 : f32 to vector<2000x32xf32>
    %logistic3A_31 = arith.addf %logistic3A_30, %logistic3A_28 : vector<2000x32xf32>
    %logistic3A_32 = arith.divf %logistic3A_30, %logistic3A_31 : vector<2000x32xf32>
    %mul3A_33 = arith.mulf %slice3A_27, %logistic3A_32 : vector<2000x32xf32>
    %swap3A = arith.constant 0 : index
    %swap3A_34 = arith.constant 0 : index
    %swap3A_35 = vector.load %arg6[%swap3A, %swap3A_34] : memref<2000x32xf32, #tpu.memory_space<vmem>>, vector<2000x32xf32>
    tpu.vector_store %arg6[%swap3A, %swap3A_34], %mul3A_33 {strides = array<i32>} : memref<2000x32xf32, #tpu.memory_space<vmem>>, vector<2000x32xf32>,
    %slice3A_36 = vector.extract_strided_slice %add3A_26 {offsets = [0, 32], sizes = [2000, 16], strides = [1, 1]} : vector<2000x48xf32> to vector<2000x16xf32>
    %logistic3A_37 = arith.negf %slice3A_36 : vector<2000x16xf32>
    %logistic3A_38 = math.exp %logistic3A_37 : vector<2000x16xf32>
    %logistic3A_39 = arith.constant 1.000000e+00 : f32
    %logistic3A_40 = vector.broadcast %logistic3A_39 : f32 to vector<2000x16xf32>
    %logistic3A_41 = arith.addf %logistic3A_40, %logistic3A_38 : vector<2000x16xf32>
    %logistic3A_42 = arith.divf %logistic3A_40, %logistic3A_41 : vector<2000x16xf32>
    %iota3A = tpu.iota {dimensions = array<i32: 0>} : vector<16x48xi32>
    %iota3A_43 = tpu.iota {dimensions = array<i32: 1>} : vector<16x48xi32>
    %broadcast_in_dim3A = arith.constant 0.000000e+00 : f32
    %broadcast_in_dim3A_44 = vector.broadcast %broadcast_in_dim3A : f32 to vector<2000x48xf32>
    %slice3A_45 = vector.extract_strided_slice %add3A {offsets = [0, 32], sizes = [2000, 32], strides = [1, 1]} : vector<2000x128xf32> to vector<2000x32xf32>
    %get3A_46 = arith.constant 0 : index
    %get3A_47 = arith.constant 0 : index
    %get3A_48 = vector.load %arg5[%get3A_46, %get3A_47] : memref<32x16xf32, #tpu.memory_space<vmem>>, vector<32x16xf32>
    %dot_general3A_49 = arith.constant dense<0.000000e+00> : vector<2000x16xf32>
    %dot_general3A_50 = tpu.matmul %slice3A_45, %get3A_48, %dot_general3A_49 {dimension_numbers = #tpu.dot_dimension_numbers<[1], [0], [0], [1], [0, 0, 1, 1], [], []>, transpose_lhs_hint = false} : vector<2000x32xf32>, vector<32x16xf32>, vector<2000x16xf32> -> vector<2000x16xf32>
    %mul3A_51 = arith.constant 0.176776692 : f32
    %mul3A_52 = vector.broadcast %mul3A_51 : f32 to vector<2000x16xf32>
    %mul3A_53 = arith.mulf %dot_general3A_50, %mul3A_52 : vector<2000x16xf32>
    %mul3A_54 = arith.constant 3 : i32
    %mul3A_55 = vector.broadcast %mul3A_54 : i32 to vector<16x48xi32>
    %mul3A_56 = arith.muli %mul3A_55, %iota3A : vector<16x48xi32>
    %add3A_57 = arith.constant 0 : i32
    %add3A_58 = vector.broadcast %add3A_57 : i32 to vector<16x48xi32>
    %add3A_59 = arith.addi %mul3A_56, %add3A_58 : vector<16x48xi32>
    %eq3A = arith.cmpi eq, %iota3A_43, %add3A_59 : vector<16x48xi32>
    %convert_element_type3A = arith.extui %eq3A : vector<16x48xi1> to vector<16x48xi32>
    %convert_element_type3A_60 = arith.sitofp %convert_element_type3A : vector<16x48xi32> to vector<16x48xf32>
    %mul3A_61 = arith.mulf %mul3A_53, %logistic3A_42 : vector<2000x16xf32>
    %dot_general3A_62 = arith.constant dense<0.000000e+00> : vector<2000x48xf32>
    %dot_general3A_63 = tpu.matmul %mul3A_61, %convert_element_type3A_60, %dot_general3A_62 {dimension_numbers = #tpu.dot_dimension_numbers<[1], [0], [0], [1], [0, 0, 1, 1], [], []>, transpose_lhs_hint = false} : vector<2000x16xf32>, vector<16x48xf32>, vector<2000x48xf32> -> vector<2000x48xf32>
    %add3A_64 = arith.addf %broadcast_in_dim3A_44, %dot_general3A_63 : vector<2000x48xf32>
    %slice3A_65 = vector.extract_strided_slice %add3A {offsets = [0, 64], sizes = [2000, 32], strides = [1, 1]} : vector<2000x128xf32> to vector<2000x32xf32>
    %get3A_66 = arith.constant 0 : index
    %get3A_67 = arith.constant 0 : index
    %get3A_68 = vector.load %arg5[%get3A_66, %get3A_67] : memref<32x16xf32, #tpu.memory_space<vmem>>, vector<32x16xf32>
    %dot_general3A_69 = arith.constant dense<0.000000e+00> : vector<2000x16xf32>
    %dot_general3A_70 = tpu.matmul %slice3A_65, %get3A_68, %dot_general3A_69 {dimension_numbers = #tpu.dot_dimension_numbers<[1], [0], [0], [1], [0, 0, 1, 1], [], []>, transpose_lhs_hint = false} : vector<2000x32xf32>, vector<32x16xf32>, vector<2000x16xf32> -> vector<2000x16xf32>
    %mul3A_71 = arith.constant 0.176776692 : f32
    %mul3A_72 = vector.broadcast %mul3A_71 : f32 to vector<2000x16xf32>
    %mul3A_73 = arith.mulf %dot_general3A_70, %mul3A_72 : vector<2000x16xf32>
    %mul3A_74 = arith.constant 3 : i32
    %mul3A_75 = vector.broadcast %mul3A_74 : i32 to vector<16x48xi32>
    %mul3A_76 = arith.muli %mul3A_75, %iota3A : vector<16x48xi32>
    %add3A_77 = arith.constant 1 : i32
    %add3A_78 = vector.broadcast %add3A_77 : i32 to vector<16x48xi32>
    %add3A_79 = arith.addi %mul3A_76, %add3A_78 : vector<16x48xi32>
    %eq3A_80 = arith.cmpi eq, %iota3A_43, %add3A_79 : vector<16x48xi32>
    %convert_element_type3A_81 = arith.extui %eq3A_80 : vector<16x48xi1> to vector<16x48xi32>
    %convert_element_type3A_82 = arith.sitofp %convert_element_type3A_81 : vector<16x48xi32> to vector<16x48xf32>
    %mul3A_83 = arith.mulf %mul3A_73, %logistic3A_42 : vector<2000x16xf32>
    %dot_general3A_84 = arith.constant dense<0.000000e+00> : vector<2000x48xf32>
    %dot_general3A_85 = tpu.matmul %mul3A_83, %convert_element_type3A_82, %dot_general3A_84 {dimension_numbers = #tpu.dot_dimension_numbers<[1], [0], [0], [1], [0, 0, 1, 1], [], []>, transpose_lhs_hint = false} : vector<2000x16xf32>, vector<16x48xf32>, vector<2000x48xf32> -> vector<2000x48xf32>
    %add3A_86 = arith.addf %add3A_64, %dot_general3A_85 : vector<2000x48xf32>
    %slice3A_87 = vector.extract_strided_slice %add3A {offsets = [0, 96], sizes = [2000, 32], strides = [1, 1]} : vector<2000x128xf32> to vector<2000x32xf32>
    %get3A_88 = arith.constant 0 : index
    %get3A_89 = arith.constant 0 : index
    %get3A_90 = vector.load %arg5[%get3A_88, %get3A_89] : memref<32x16xf32, #tpu.memory_space<vmem>>, vector<32x16xf32>
    %dot_general3A_91 = arith.constant dense<0.000000e+00> : vector<2000x16xf32>
    %dot_general3A_92 = tpu.matmul %slice3A_87, %get3A_90, %dot_general3A_91 {dimension_numbers = #tpu.dot_dimension_numbers<[1], [0], [0], [1], [0, 0, 1, 1], [], []>, transpose_lhs_hint = false} : vector<2000x32xf32>, vector<32x16xf32>, vector<2000x16xf32> -> vector<2000x16xf32>
    %mul3A_93 = arith.constant 0.176776692 : f32
    %mul3A_94 = vector.broadcast %mul3A_93 : f32 to vector<2000x16xf32>
    %mul3A_95 = arith.mulf %dot_general3A_92, %mul3A_94 : vector<2000x16xf32>
    %mul3A_96 = arith.constant 3 : i32
    %mul3A_97 = vector.broadcast %mul3A_96 : i32 to vector<16x48xi32>
    %mul3A_98 = arith.muli %mul3A_97, %iota3A : vector<16x48xi32>
    %add3A_99 = arith.constant 2 : i32
    %add3A_100 = vector.broadcast %add3A_99 : i32 to vector<16x48xi32>
    %add3A_101 = arith.addi %mul3A_98, %add3A_100 : vector<16x48xi32>
    %eq3A_102 = arith.cmpi eq, %iota3A_43, %add3A_101 : vector<16x48xi32>
    %convert_element_type3A_103 = arith.extui %eq3A_102 : vector<16x48xi1> to vector<16x48xi32>
    %convert_element_type3A_104 = arith.sitofp %convert_element_type3A_103 : vector<16x48xi32> to vector<16x48xf32>
    %mul3A_105 = arith.mulf %mul3A_95, %logistic3A_42 : vector<2000x16xf32>
    %dot_general3A_106 = arith.constant dense<0.000000e+00> : vector<2000x48xf32>
    %dot_general3A_107 = tpu.matmul %mul3A_105, %convert_element_type3A_104, %dot_general3A_106 {dimension_numbers = #tpu.dot_dimension_numbers<[1], [0], [0], [1], [0, 0, 1, 1], [], []>, transpose_lhs_hint = false} : vector<2000x16xf32>, vector<16x48xf32>, vector<2000x48xf32> -> vector<2000x48xf32>
    %add3A_108 = arith.addf %add3A_86, %dot_general3A_107 : vector<2000x48xf32>
    %swap3A_109 = arith.constant 0 : index
    %swap3A_110 = arith.constant 0 : index
    %swap3A_111 = vector.load %arg7[%swap3A_109, %swap3A_110] : memref<2000x48xf32, #tpu.memory_space<vmem>>, vector<2000x48xf32>
    tpu.vector_store %arg7[%swap3A_109, %swap3A_110], %add3A_108 {strides = array<i32>} : memref<2000x48xf32, #tpu.memory_space<vmem>>, vector<2000x48xf32>,
    return
  }
  func.func @transform_0(%arg0: i32) -> (i32, i32, i32) {
    %c0_i32 = arith.constant 0 : i32
    %c0_i32_0 = arith.constant 0 : i32
    %c0_i32_1 = arith.constant 0 : i32
    return %c0_i32, %arg0, %c0_i32_0 : i32, i32, i32
  }
  func.func @transform_1(%arg0: i32) -> (i32, i32) {
    %c0_i32 = arith.constant 0 : i32
    %c0_i32_0 = arith.constant 0 : i32
    return %arg0, %c0_i32 : i32, i32
  }
  func.func @transform_2(%arg0: i32) -> (i32, i32) {
    %c0_i32 = arith.constant 0 : i32
    %c0_i32_0 = arith.constant 0 : i32
    %c0_i32_1 = arith.constant 0 : i32
    return %c0_i32, %c0_i32_0 : i32, i32
  }
  func.func @transform_3(%arg0: i32) -> (i32, i32) {
    %c0_i32 = arith.constant 0 : i32
    %c0_i32_0 = arith.constant 0 : i32
    %c0_i32_1 = arith.constant 0 : i32
    return %c0_i32, %c0_i32_0 : i32, i32
  }
  func.func @transform_4(%arg0: i32) -> (i32, i32) {
    %c0_i32 = arith.constant 0 : i32
    %c0_i32_0 = arith.constant 0 : i32
    %c0_i32_1 = arith.constant 0 : i32
    return %c0_i32, %c0_i32_0 : i32, i32
  }
  func.func @transform_5(%arg0: i32) -> (i32, i32) {
    %c0_i32 = arith.constant 0 : i32
    %c0_i32_0 = arith.constant 0 : i32
    return %arg0, %c0_i32 : i32, i32
  }
  func.func @transform_6(%arg0: i32) -> (i32, i32) {
    %c0_i32 = arith.constant 0 : i32
    %c0_i32_0 = arith.constant 0 : i32
    return %arg0, %c0_i32 : i32, i32
  }
}

</mosaic_0001>

<sc_bundles>
// kernel: kernel.6.cloned.1.call-start
scs
__scs_entry_jumppad:
0x0: {  	(pc) =	sbr.rel $0x88, $3  }
0x1: {  	(tag) =	ssettag $0x0;
	lr =	simm.s32 $0x1  }
0x2: {  	[smem:$0x3F98] =	sst lr;
	_ =	strace $0xD0000000  }
0x3: {  	_ = 	snop  }
0x4: {  	_ = 	snop  }
0x5: {  	_ = 	snop  }
0x6: {  	_ = 	snop  }
0x7: {  	_ = 	snop  }
__scs_overlays_trampoline_lowered:
0x8: {  	[smem:$0x3FA7] =	sst s0  }
0x9: {  	[smem:$0x3FA8] =	sst s1  }
0xa: {  	[smem:$0x3FA9] =	sst s2  }
0xb: {  	[smem:$0x3FAA] =	sst s3  }
0xc: {  	[smem:$0x3FAB] =	sst s4  }
0xd: {  	[smem:$0x3FAC] =	sst s5  }
0xe: {  	[smem:$0x3FAD] =	sst s6  }
0xf: {  	[smem:$0x3FAE] =	sst s7  }
0x10: {  	[smem:$0x3FAF] =	sst s8  }
0x11: {  	[smem:$0x3FB0] =	sst s9;
	s0 =	simm.s32 @!p0 $0x0  }
0x12: {  	s1 =	sld [smem:$0x3F96];
	s0 =	simm.s32 @p0 $0x1  }
0x13: {  	[smem:$0x3FB1] =	sst s0;
	s0 =	simm.s32 @!p1 $0x0  }
0x14: {  	s2 =	sld [smem:$0x3F95];
	s0 =	simm.s32 @p1 $0x1  }
0x15: {  	[smem:$0x3FB2] =	sst s0;
	s0 =	simm.s32 @!p2 $0x0  }
0x16: {  	s3 =	sld [smem:$0x3FDB];
	s0 =	simm.s32 @p2 $0x1  }
0x17: {  	s4 =	simm.s32 $0x1BF5;
	[smem:$0x3FB4] =	sst s0  }
0x18: {  	s0 =	sld [smem:$0x3F97];
	_ =	swait.ge [sflag:s4], $0x0  }
0x19: {  	s7 =	sld [smem:$0x3F98]  }
0x1a: {  	s8 =	sadd.s32 $0xFFFFE003, lr  }
0x1b: {  	s9 =	sadd.s32 $0xFFFFFEF7, lr;
	s5 =	simm.s32 $0xFFFFFFFF;
	p2 =	slt.u32 s8, $0xFFFFF086  }
0x1c: {  	p1 =	slt.u32 s9, $0xF7A;
	s5 =	simm.s32 @!p2 $0x0  }
0x1d: {  	s5 =	simm.s32 @p1 $0x1;
	p0 =	seq.s32 s7, s2  }
0x1e: {  	s7 =	smul.u32 @!p0 $0xF7A, s2;
	p2 =	seq.s32 @!p0 s5, $0x0  }
0x1f: {  	s9 =	smul.u32 $0xF7A, s1;
	s8 =	simm.s32 @!p0 $0x1BF5;
	p2 =	por !p2, p0  }
0x20: {  	[sflag:s8] =	ssyncset.s32 @!p0 $0xFFFFF086;
	s6 =	sadd.s32 @!p0 s3, s7;
	s7 =	simm.s32 @!p0 $0x108  }
0x21: {  	s3 =	sadd.s32 s3, s9;
	s6 =	sadd.s32 @!p0 $0x88, s6;
	s7 =	simm.s32 @p2 $0x1082  }
0x22: {  	[simem:s7], [sflag:s8] =	dma.local @!p0 [hbm:s6], $0xF7A  }
0x23: {  	s9 =	sor.u32 $0xD0000000, s2;
	s6 =	simm.s32 $0x108;
	_ =	swait.ge @!p0 [sflag:s8], $0x0  }
0x24: {  	s3 =	sadd.s32 $0x88, s3;
	s6 =	simm.s32 @!p1 $0x1082;
	[sflag:s4] =	ssyncset.s32 $0xFFFFF086  }
0x25: {  	[simem:s6], [sflag:s4] =	dma.local [hbm:s3], $0xF7A  }
0x26: {  	[smem:$0x3F98] =	sst s1;
	(tag) =	ssettag s2;
	_ =	strace s9  }
0x27: {  	s1 =	sld [smem:$0x3FA8]  }
0x28: {  	s2 =	sld [smem:$0x3FA9]  }
0x29: {  	s4 =	sld [smem:$0x3FAB]  }
0x2a: {  	p0 =	seq.s32 s5, $0x0;
	s5 =	sld [smem:$0x3FAC]  }
0x2b: {  	s6 =	sld [smem:$0x3FAD]  }
0x2c: {  	s7 =	sld [smem:$0x3FAE]  }
0x2d: {  	s3 =	simm.s32 $0x108;
	s8 =	sld [smem:$0x3FAF]  }
0x2e: {  	s3 =	simm.s32 @!p0 $0x1082;
	s9 =	sld [smem:$0x3FB0]  }
0x2f: {  	lr =	sadd.s32 s0, s3;
	s0 =	sld [smem:$0x3FA7]  }
0x30: {  	s3 =	sld [smem:$0x3FAA]  }
0x31: {  	[smem:$0x3FB3] =	sst s10  }
0x32: {  	s10 =	sld [smem:$0x3FB1];
	_ =	sdelay $0x3  }
0x33: {  	p0 =	seq.s32 s10, $0x1;
	s10 =	sld [smem:$0x3FB3];
	_ =	sdelay $0x3  }
0x34: {  	[smem:$0x3FB3] =	sst s10  }
0x35: {  	s10 =	sld [smem:$0x3FB2];
	_ =	sdelay $0x3  }
0x36: {  	p1 =	seq.s32 s10, $0x1;
	s10 =	sld [smem:$0x3FB3];
	_ =	sdelay $0x3  }
0x37: {  	[smem:$0x3FB3] =	sst s10  }
0x38: {  	s10 =	sld [smem:$0x3FB4]  }
0x39: {  	_ = 	snop;
	(pc) =	sbr.ind lr, $3  }
0x3a: {  	_ = 	snop  }
0x3b: {  	_ = 	snop  }
0x3c: {  	p2 =	seq.s32 s10, $0x1;
	s10 =	sld [smem:$0x3FB3]  }
0x3d: {  	_ =	shalt  }
0x3e: {  	_ =	shalt  }
0x3f: {  	_ =	shalt  }
0x40: {  	_ =	shalt  }
0x41: {  	_ =	shalt  }
0x42: {  	_ =	shalt  }
0x43: {  	_ =	shalt  }
0x44: {  	_ =	shalt  }
0x45: {  	_ =	shalt  }
0x46: {  	_ =	shalt  }
0x47: {  	_ =	shalt  }
0x48: {  	_ =	shalt  }
0x49: {  	_ =	shalt  }
0x4a: {  	_ =	shalt  }
0x4b: {  	_ =	shalt  }
0x4c: {  	_ =	shalt  }
0x4d: {  	_ =	shalt  }
0x4e: {  	_ =	shalt  }
0x4f: {  	_ =	shalt  }
0x50: {  	_ =	shalt  }
0x51: {  	_ =	shalt  }
0x52: {  	_ =	shalt  }
0x53: {  	_ =	shalt  }
0x54: {  	_ =	shalt  }
0x55: {  	_ =	shalt  }
0x56: {  	_ =	shalt  }
0x57: {  	_ =	shalt  }
0x58: {  	_ =	shalt  }
0x59: {  	_ =	shalt  }
0x5a: {  	_ =	shalt  }
0x5b: {  	_ =	shalt  }
0x5c: {  	_ =	shalt  }
0x5d: {  	_ =	shalt  }
0x5e: {  	_ =	shalt  }
0x5f: {  	_ =	shalt  }
0x60: {  	_ =	shalt  }
0x61: {  	_ =	shalt  }
0x62: {  	_ =	shalt  }
0x63: {  	_ =	shalt  }
0x64: {  	_ =	shalt  }
0x65: {  	_ =	shalt  }
0x66: {  	_ =	shalt  }
0x67: {  	_ =	shalt  }
0x68: {  	_ =	shalt  }
0x69: {  	_ =	shalt  }
0x6a: {  	_ =	shalt  }
0x6b: {  	_ =	shalt  }
0x6c: {  	_ =	shalt  }
0x6d: {  	_ =	shalt  }
0x6e: {  	_ =	shalt  }
0x6f: {  	_ =	shalt  }
0x70: {  	_ =	shalt  }
0x71: {  	_ =	shalt  }
0x72: {  	_ =	shalt  }
0x73: {  	_ =	shalt  }
0x74: {  	_ =	shalt  }
0x75: {  	_ =	shalt  }
0x76: {  	_ =	shalt  }
0x77: {  	_ =	shalt  }
0x78: {  	_ =	shalt  }
0x79: {  	_ =	shalt  }
0x7a: {  	_ =	shalt  }
0x7b: {  	_ =	shalt  }
0x7c: {  	_ =	shalt  }
0x7d: {  	_ =	shalt  }
0x7e: {  	_ =	shalt  }
0x7f: {  	_ =	shalt  }
0x80: {  	_ =	shalt  }
0x81: {  	_ =	shalt  }
0x82: {  	_ =	shalt  }
0x83: {  	_ =	shalt  }
0x84: {  	_ =	shalt  }
0x85: {  	_ =	shalt  }
0x86: {  	_ =	shalt  }
0x87: {  	_ =	shalt  }
.Lfunc_end0:
.L_simem_size_0:
called_computation_lowered:
.L_overlay_start_0:
0x88: {  	s2 =	sld [smem:$0x3FD9]  }
0x89: {  	s3 =	sld [smem:$0x3FFE];
	_ =	sdelay $0x1  }
0x8a: {  	s1 =	srdreg.scid  }
0x8b: {  	s0 =	sand.u32 $0x1, s1  }
0x8c: {  	s17 =	sshll.u32 s0, $0xA;
	s2 =	sadd.s32 s3, s2  }
0x8d: {  	s2 =	sadd.s32 s2, s17  }
0x8e: {  	[smem:$0x3FBF] =	sst s2  }
0x8f: {  	_ = 	snop  }
0x90: {  	s2 =	sld [smem:$0x3FD0];
	(tm) =	ssettm $0x1  }
0x91: {  	s18 =	sld [smem:$0x3FFB];
	_ =	sdelay $0x3  }
0x92: {  	_ =	strace s18  }
0x93: {  	s3 =	sld [smem:$0x3FFC];
	_ =	sdelay $0x3  }
0x94: {  	_ =	strace s3  }
0x95: {  	s3 =	sld [smem:$0x3FFD];
	_ =	sdelay $0x3  }
0x96: {  	_ =	strace s3  }
0x97: {  	_ =	strace $0x8FFFFFFF  }
0x98: {  	s19 =	sld [smem:$0x3FDB];
	_ =	sdelay $0x1  }
0x99: {  	s4 =	simm.s32 $_scs_section_size  }
0x9a: {  	s5 =	simm.s32 $_size__tile_overlayer_lowered;
	s6 =	simm.s32 $_tile_overlayer_lowered  }
0x9b: {  	s22 =	simm.s32 $0x1BFF;
	s21 =	sshll.u32 s6, $0x1;
	s3 =	sadd.s32 s4, s19  }
0x9c: {  	s7 =	simm.s32 $0x0;
	s20 =	sshll.u32 s5, $0x1;
	s5 =	sadd.s32 s21, s3  }
0x9d: {  	[timem:s7], [sflag:s22] =	dma.local [hbm:s5], s20  }
0x9e: {  	_ =	swait.ge [sflag:s22], s20  }
0x9f: {  	s4 =	ssub.s32 $0x0, s20;
	[sflag:s22] =	ssyncset.done $0x0  }
0xa0: {  	[sflag:s22] =	ssyncadd.s32 s4;
	_ =	sdelay $0x1  }
0xa1: {  	s23 =	simm.s32 $0x1B8B  }
0xa2: {  	_ =	swait.ge [sflag:s23], $0x1  }
0xa3: {  	[sflag:s23] =	ssyncset.done $0x0  }
0xa4: {  	s25 =	simm.s32 $0x1B8E;
	s24 =	sld [smem:$0x3FFE];
	[sflag:s23] =	ssyncadd.s32 $0xFFFFFFFF  }
0xa5: {  	s26 =	simm.s32 $execute0_lowered;
	[smem:$0x3FD2] =	sst s25  }
0xa6: {  	s5 =	sshll.u32 s26, $0x1;
	_ =	strace $0x80000046;
	[dreg:$0x1] =	wrdreg $0xFFFFFFFF  }
0xa7: {  	s28 =	simm.s32 $_size_execute0_lowered;
	s3 =	sadd.s32 s3, s5;
	[dreg:$0x0] =	wrdreg $0x0  }
0xa8: {  	s5 =	sshll.u32 s28, $0x1;
	[dreg:$0x2] =	wrdreg s3  }
0xa9: {  	[dreg:$0x3] =	wrdreg s5  }
0xaa: {  	[dreg:$0x4] =	wrdreg $0xC0  }
0xab: {  	_ =	task [dreg:s7], $0x5FFFF  }
0xac: {  	[dreg:$0x1] =	wrdreg $0xFFFFFFFF  }
0xad: {  	[dreg:$0x0] =	wrdreg $0x60  }
0xae: {  	[dreg:$0x2] =	wrdreg s2  }
0xaf: {  	[dreg:$0x3] =	wrdreg s24  }
0xb0: {  	[dreg:$0x4] =	wrdreg $0xA8200  }
0xb1: {  	[dreg:$0x5] =	wrdreg $0x9  }
0xb2: {  	_ =	task.clear_ibuf [dreg:s7], $0x6FFFF;
	_ =	strace $0x90000046  }
0xb3: {  	s29 =	simm.s32 $0x9;
	_ =	strace $0x80000048  }
0xb4: {  	_ =	swait.ge [sflag:s29], $0x1  }
0xb5: {  	[sflag:s29] =	ssyncadd.s32 $0xFFFFFFFF  }
0xb6: {  	_ =	strace $0x90000048  }
0xb7: {  	_ =	sfence  }
0xb8: {  	s30 =	sld [smem:$0x0];
	_ =	sdelay $0x2  }
0xb9: {  	s31 =	sshll.u32 s1, $0xD;
	s1 =	sshrl.u32 s1, $0x2  }
0xba: {  	s3 =	sand.u32 $0x4000, s31;
	s1 =	sadd.s32 s1, s30  }
0xbb: {  	s0 =	sor.u32 s3, s0;
	s1 =	sshll.u32 s1, $0x11  }
0xbc: {  	s0 =	sor.u32 s1, s0  }
0xbd: {  	s0 =	sadd.s32 $0x8F2B, s0  }
0xbe: {  	[sflag:s0] =	ssyncadd.remote.s32 $0x1  }
0xbf: {  	_ =	sfence.sel $0xFFFF  }
0xc0: {  	[dreg:$0x0] =	wrdreg $0xFFFFFFFF;
	(pc) =	sbr.abs _section_cstart, $3  }
0xc1: {  	[dreg:$0x1] =	wrdreg $0xFFFFFFFF  }
0xc2: {  	_ =	task.clear_ibuf [dreg:s7], $0x2FFFF;
	_ =	strace $0x9FFFFFFF  }
0xc3: {  	(tm) =	ssettm $0x7FFFFFFF  }
tec
execute0_lowered:
.L_overlay_start_1:
0x0: {  	(tag) =	ssettag $0x1  }
0x1: {  	s0 =	rddreg [dreg:$0x0]  }
0x2: {  	s1 =	srdreg.scid;
	s7 =	rddreg [dreg:$0x1]  }
0x3: {  	s2 =	rddreg [dreg:$0x2];
	s8 =	stileid.u32  }
0x4: {  	s3 =	simm.s32 $0x0;
	s19 =	simm.s32 $0x28;
	s20 =	simm.s32 $0x4E20  }
0x5: {  	s21 =	simm.s32 $0x5820;
	s22 =	simm.s32 $0x5320;
	s28 =	simm.s32 $0x9420  }
0x6: {  	s30 =	simm.s32 $0x3;
	s31 =	simm.s32 $0x0;
	s1 =	sand.u32 $0x1, s1  }
0x7: {  	[smem:$0x7FF] =	sst s3;
	s5 =	sadd.s32 $0x3C400, s7;
	s11 =	smul.u32 $0x13800, s8  }
0x8: {  	s15 =	sadd.s32 $0x138000, s2;
	p0 =	sne.s32 s8, $0x0;
	s4 =	sshll.u32 s1, $0x4  }
0x9: {  	s12 =	ssub.s32 $0x2, s1;
	s1 =	smul.u32 $0x138800, s1;
	s9 =	sor.u32 s8, s4  }
0xa: {  	s29 =	sshll.u32 s8, $0x6;
	_ =	strace $0x80000047;
	s6 =	smul.u32 $0x4E2, s9  }
0xb: {  	s16 =	sor.u32 $0x1C05, s29;
	s18 =	sshrl.u32 @!p0 s15, $0x3;
	s4 =	smul.u32 $0xFA, s9  }
0xc: {  	s14 =	sshrl.u32 s12, $0x1;
	s24 =	sadd.s32 s11, s2;
	s13 =	smul.u32 $0x27100, s9  }
0xd: {  	s9 =	smul.u32 $0x138800, s9;
	s14 =	ssub.s32 s12, s14;
	s11 =	sadd.s32 s11, s1  }
0xe: {  	s1 =	sshrl.u32 s1, $0x3;
	s17 =	sshrl.u32 s24, $0x3;
	s24 =	simm.s32 $0x1  }
0xf: {  	s11 =	sshrl.u32 s11, $0x3;
	s10 =	sadd.s32 s6, s7;
	s6 =	sadd.s32 $0x51E400, s7  }
0x10: {  	s7 =	sadd.s32 $0x520C00, s7;
	s25 =	sadd.s32 s5, s13;
	s9 =	sshrl.u32 s9, $0x3  }
0x11: {  	s13 =	smax.u32 s14, $0x1;
	s14 =	simm.s32 $0x5;
	s23 =	sadd.s32 $0x32600, s10  }
0x12: {  	s10 =	sadd.s32 $0x28800, s10;
	[dreg:$0x6] =	wrdreg s25;
	s9 =	sadd.s32 s5, s9  }
0x13: {  	s26 =	sadd.s32 s7, s11;
	s1 =	sadd.s32 s7, s1;
	[dreg:$0x4] =	wrdreg s23  }
0x14: {  	s25 =	simm.s32 $0x8020;
	[dreg:$0x5] =	wrdreg s10;
	s9 =	sadd.s32 $0x26E80, s9  }
0x15: {  	[dreg:$0x8] =	wrdreg s26;
	s12 =	sadd.s32 $0x27000, s1;
	s23 =	simm.s32 $0x6C20  }
0x16: {  	s26 =	simm.s32 $0x2;
	s1 =	simm.s32 $0x4;
	[dreg:$0x7] =	wrdreg s9  }
.LBB2_1:
0x17: {  	s7 =	rddreg [dreg:$0x4]  }
0x18: {  	[tilespmem:s3], [sflag:$0x5] =	stream.linear.gather [hbm4b:s7+s3], $0x2710, $0x38;
	[tilespmem:$0x1E0A0] =	vst v63  }
0x19: {  	_ =	swait.ge [sflag:s14], $0x2710  }
0x1a: {  	[sflag:s14] =	ssyncset.done $0x0  }
0x1b: {  	s8 =	simm.s32 $0x2710;
	s11 =	rddreg [dreg:$0x5];
	[sflag:s14] =	ssyncadd.s32 $0xFFFFD8F0  }
0x1c: {  	[tilespmem:s8], [sflag:$0x5] =	stream.linear.gather [hbm4b:s11+s3], $0x2710, $0x38;
	[tilespmem:$0x1E0A0] =	vst v63  }
0x1d: {  	_ =	swait.ge [sflag:s14], $0x2710  }
0x1e: {  	[sflag:s14] =	ssyncset.done $0x0  }
0x1f: {  	[sflag:s14] =	ssyncadd.s32 $0xFFFFD8F0  }
0x20: {  	[spmem:s17], [sflag:s16] =	dma.local [hbm:s6], $0x2700  }
0x21: {  	_ =	swait.ge [sflag:s14], $0x2700  }
0x22: {  	[sflag:s14] =	ssyncset.done $0x0  }
0x23: {  	s7 =	simm.s32 @!p0 $0x5;
	[sflag:s14] =	ssyncadd.s32 $0xFFFFD900  }
0x24: {  	[spmem:s18], [sflag:s16] =	dma.local @!p0 [hbm:s6], $0x100  }
0x25: {  	_ =	swait.ge @!p0 [sflag:s7], $0x100  }
0x26: {  	[sflag:s7] =	ssyncset.done @!p0 $0x0  }
0x27: {  	[sflag:s7] =	ssyncadd.s32 @!p0 $0xFFFFFF00  }
0x28: {  	[bflag:$0x0] =	sbarrier.arrive $0xFFFF  }
0x29: {  	[tilespmem:s20], [sflag:$0x1] =	stream.indirect.gather [hbm4b:s0+s19], $0x20, s8, s19, $0xb8;
	[tilespmem:$0x1E0A0] =	vst v63  }
0x2a: {  	s29 =	simm.s32 $0x0;
	s15 =	rddreg [dreg:$0x6]  }
0x2b: {  	[tilespmem:s21], [sflag:$0x1] =	stream.linear.gather [hbm4b:s15+s3], $0x1400, $0x38;
	[tilespmem:$0x1E0A0] =	vst v63  }
.LBB2_2:
0x2c: {  	s8 =	sshllo.u32 s29, $0x1  }
0x2d: {  	s7 =	smul.u32 $0x28, s8  }
0x2e: {  	s8 =	sadd.s32 s4, s8  }
0x2f: {  	s8 =	smul.u32 $0x280, s8;
	s9 =	sadd.s32 $0x2710, s7  }
0x30: {  	[tilespmem:s22], [sflag:$0x2] =	stream.indirect.gather [hbm4b:s0+s19], $0x20, s9, s19, $0xb8;
	[tilespmem:$0x1E0A0] =	vst v63  }
0x31: {  	s8 =	sadd.s32 s5, s8  }
0x32: {  	[tilespmem:s23], [sflag:$0x2] =	stream.linear.gather [hbm4b:s8+s3], $0x1400, $0x38;
	[tilespmem:$0x1E0A0] =	vst v63  }
0x33: {  	_ =	swait.ge [sflag:s24], $0x500  }
0x34: {  	[sflag:s24] =	ssyncset.done $0x0  }
0x35: {  	[sflag:s24] =	ssyncadd.s32 $0xFFFFFB00  }
0x36: {  	_ =	swait.ge [sflag:s24], $0x1400  }
0x37: {  	p1 =	seq.s32 s29, $0x0;
	[sflag:s24] =	ssyncset.done $0x0  }
0x38: {  	s8 =	simm.s32 @!p1 $0x3;
	[sflag:s24] =	ssyncadd.s32 $0xFFFFEC00  }
0x39: {  	_ =	swait.ge @!p1 [sflag:s8], $0x1400  }
0x3a: {  	[sflag:s8] =	ssyncset.done @!p1 $0x0  }
0x3b: {  	[sflag:s8] =	ssyncadd.s32 @!p1 $0xFFFFEC00;
	s8 =	simm.s32 $0x0  }
0x3c: {  	v2 =	vld [tilespmem:s8+$0x5820]  }
0x3d: {  	v5 =	vld [tilespmem:s8+$0x5870]  }
0x3e: {  	v1 =	vld [tilespmem:s8+$0x5840]  }
0x3f: {  	s15 =	simm.s32 $0x4E30;
	v3 =	vld [tilespmem:s8+$0x5890]  }
0x40: {  	v0 =	vld [tilespmem:s15+$0x0]  }
0x41: {  	v4 =	vld [tilespmem:s15+$0xFFFFFFF0]  }
0x42: {  	s10 =	simm.s32 $0x200;
	s9 =	sshll.u32 s29, $0x1;
	v6 =	vld [tilespmem:s8+$0x5880]  }
.LBB2_3:
0x43: {  	p2 =	sne.s32 s10, $0x4E00  }
0x44: {  	v7 =	vld [tilespmem:s8+$0x5860];
	s15 =	sadd.s32 $0x20, s15;
	s11 =	smov.u32 s10;
	s10 =	sadd.s32 $0x200, s10  }
0x45: {  	v8 =	vld [tilespmem:s8+$0x5850]  }
0x46: {  	v9 =	vld [tilespmem:s8+$0x5830];
	v5 =	vmul.f32 v5, v0;
	v10 =	vmul.f32 v3, v0  }
0x47: {  	v2 =	vmul.f32 v2, v4;
	v3 =	vmul.f32 v1, v4  }
0x48: {  	[tilespmem:s8+$0x8070] =	vst v5;
	v1 =	vmul.f32 v6, v4  }
0x49: {  	[tilespmem:s8+$0x8020] =	vst v2;
	v2 =	vmul.f32 v7, v4  }
0x4a: {  	v4 =	vmul.f32 v8, v0;
	[tilespmem:s8+$0x8080] =	vst v1  }
0x4b: {  	s11 =	sshra.s32 s11, $0x2;
	v0 =	vmul.f32 v9, v0;
	[tilespmem:s8+$0x8060] =	vst v2  }
0x4c: {  	v2 =	vld [tilespmem:s11+$0x5820];
	[tilespmem:s8+$0x8050] =	vst v4  }
0x4d: {  	v5 =	vld [tilespmem:s11+$0x5870];
	[tilespmem:s8+$0x8030] =	vst v0  }
.Ltmp0:
0x4e: {  	v1 =	vld [tilespmem:s11+$0x5840];
	[tilespmem:s8+$0x8040] =	vst v3;
	(pc) =	sbr.rel @p2 .LBB2_3-.Ltmp0, $4  }
0x4f: {  	v3 =	vld [tilespmem:s11+$0x5890];
	[tilespmem:s8+$0x8090] =	vst v10;
	s8 =	smov.u32 s11  }
0x50: {  	v0 =	vld [tilespmem:s15+$0x0]  }
0x51: {  	v4 =	vld [tilespmem:s15+$0xFFFFFFF0]  }
0x52: {  	v6 =	vld [tilespmem:s8+$0x5880]  }
0x53: {  	_ = 	snop  }
0x54: {  	v7 =	vld [tilespmem:s8+$0x5860]  }
0x55: {  	v8 =	vld [tilespmem:s8+$0x5850];
	v5 =	vmul.f32 v5, v0  }
0x56: {  	v9 =	vld [tilespmem:s8+$0x5830];
	v2 =	vmul.f32 v2, v4  }
0x57: {  	v1 =	vmul.f32 v1, v4;
	[tilespmem:s8+$0x8070] =	vst v5  }
0x58: {  	v5 =	vmul.f32 v6, v4;
	[tilespmem:s8+$0x8020] =	vst v2  }
0x59: {  	v2 =	vmul.f32 v7, v4;
	[tilespmem:s8+$0x8040] =	vst v1  }
0x5a: {  	v6 =	vmul.f32 v8, v0;
	[tilespmem:s8+$0x8080] =	vst v5  }
0x5b: {  	v5 =	vmul.f32 v9, v0;
	[tilespmem:s8+$0x8060] =	vst v2  }
0x5c: {  	s10 =	smul.u32 $0x140, s29;
	v0 =	vmul.f32 v3, v0;
	[tilespmem:s8+$0x8050] =	vst v6  }
0x5d: {  	s9 =	sadd.s32 $0x2, s9;
	[tilespmem:s8+$0x8030] =	vst v5  }
0x5e: {  	s15 =	smul.u32 $0xA0, s9;
	s11 =	sshra.s32 s10, $0x2;
	[tilespmem:s8+$0x8090] =	vst v0  }
0x5f: {  	[spmem:s2] =	stream.indirect.scatter.add.f32 [tilespmem:s25], [sflag:$0x3], $0x80, s11, s19, $0xb8;
	[tilespmem:$0x1E0A0] =	vst v63  }
0x60: {  	s9 =	sadd.s32 s4, s9;
	s11 =	sshra.s32 s15, $0x2  }
0x61: {  	s9 =	smul.u32 $0x280, s9;
	s8 =	sadd.s32 $0x2710, s11  }
0x62: {  	[tilespmem:s20], [sflag:$0x1] =	stream.indirect.gather [hbm4b:s0+s19], $0x20, s8, s19, $0xb8;
	[tilespmem:$0x1E0A0] =	vst v63  }
0x63: {  	s15 =	sadd.s32 s5, s9  }
0x64: {  	[tilespmem:s21], [sflag:$0x1] =	stream.linear.gather [hbm4b:s15+s3], $0x1400, $0x38;
	[tilespmem:$0x1E0A0] =	vst v63  }
0x65: {  	_ =	swait.ge [sflag:s26], $0x500  }
0x66: {  	[sflag:s26] =	ssyncset.done $0x0  }
0x67: {  	[sflag:s26] =	ssyncadd.s32 $0xFFFFFB00  }
0x68: {  	_ =	swait.ge [sflag:s26], $0x1400  }
0x69: {  	[sflag:s26] =	ssyncset.done $0x0  }
0x6a: {  	s8 =	simm.s32 @!p1 $0x4;
	[sflag:s26] =	ssyncadd.s32 $0xFFFFEC00  }
0x6b: {  	_ =	swait.ge @!p1 [sflag:s8], $0x1400  }
0x6c: {  	[sflag:s8] =	ssyncset.done @!p1 $0x0  }
0x6d: {  	[sflag:s8] =	ssyncadd.s32 @!p1 $0xFFFFEC00;
	s8 =	simm.s32 $0x0  }
0x6e: {  	v2 =	vld [tilespmem:s8+$0x6C20]  }
0x6f: {  	v5 =	vld [tilespmem:s8+$0x6C70]  }
0x70: {  	v1 =	vld [tilespmem:s8+$0x6C40]  }
0x71: {  	s9 =	simm.s32 $0x5330;
	v3 =	vld [tilespmem:s8+$0x6C90]  }
0x72: {  	v0 =	vld [tilespmem:s9+$0x0]  }
0x73: {  	v4 =	vld [tilespmem:s9+$0xFFFFFFF0]  }
0x74: {  	s10 =	simm.s32 $0x200;
	v6 =	vld [tilespmem:s8+$0x6C80]  }
.LBB2_5:
0x75: {  	p1 =	sne.s32 s10, $0x4E00  }
0x76: {  	v7 =	vld [tilespmem:s8+$0x6C60];
	s9 =	sadd.s32 $0x20, s9;
	s11 =	smov.u32 s10;
	s10 =	sadd.s32 $0x200, s10  }
0x77: {  	v8 =	vld [tilespmem:s8+$0x6C50]  }
0x78: {  	v9 =	vld [tilespmem:s8+$0x6C30];
	v5 =	vmul.f32 v5, v0;
	v10 =	vmul.f32 v3, v0  }
0x79: {  	v2 =	vmul.f32 v2, v4;
	v3 =	vmul.f32 v1, v4  }
0x7a: {  	[tilespmem:s8+$0x9470] =	vst v5;
	v1 =	vmul.f32 v6, v4  }
0x7b: {  	[tilespmem:s8+$0x9420] =	vst v2;
	v2 =	vmul.f32 v7, v4  }
0x7c: {  	v4 =	vmul.f32 v8, v0;
	[tilespmem:s8+$0x9480] =	vst v1  }
0x7d: {  	s11 =	sshra.s32 s11, $0x2;
	v0 =	vmul.f32 v9, v0;
	[tilespmem:s8+$0x9460] =	vst v2  }
0x7e: {  	v2 =	vld [tilespmem:s11+$0x6C20];
	[tilespmem:s8+$0x9450] =	vst v4  }
0x7f: {  	v5 =	vld [tilespmem:s11+$0x6C70];
	[tilespmem:s8+$0x9430] =	vst v0  }
.Ltmp1:
0x80: {  	v1 =	vld [tilespmem:s11+$0x6C40];
	[tilespmem:s8+$0x9440] =	vst v3;
	(pc) =	sbr.rel @p1 .LBB2_5-.Ltmp1, $4  }
0x81: {  	v3 =	vld [tilespmem:s11+$0x6C90];
	[tilespmem:s8+$0x9490] =	vst v10;
	s8 =	smov.u32 s11  }
0x82: {  	v0 =	vld [tilespmem:s9+$0x0]  }
0x83: {  	v4 =	vld [tilespmem:s9+$0xFFFFFFF0]  }
0x84: {  	v6 =	vld [tilespmem:s8+$0x6C80]  }
0x85: {  	_ =	sdelay $0x1  }
0x86: {  	v7 =	vld [tilespmem:s8+$0x6C60];
	v5 =	vmul.f32 v5, v0  }
0x87: {  	v8 =	vld [tilespmem:s8+$0x6C50];
	v63 =	vmul.f32 v3, v0  }
0x88: {  	v9 =	vld [tilespmem:s8+$0x6C30];
	v2 =	vmul.f32 v2, v4;
	[tilespmem:s8+$0x9470] =	vst v5  }
0x89: {  	v1 =	vmul.f32 v1, v4;
	[tilespmem:s8+$0x9490] =	vst v63  }
0x8a: {  	s29 =	sadd.s32 $0x1, s29;
	v59 =	vmul.f32 v6, v4;
	[tilespmem:s8+$0x9420] =	vst v2  }
0x8b: {  	p1 =	sne.s32 s29, $0x7C;
	v60 =	vmul.f32 v7, v4;
	[tilespmem:s8+$0x9440] =	vst v1  }
.Ltmp2:
0x8c: {  	v61 =	vmul.f32 v8, v0;
	[tilespmem:s8+$0x9480] =	vst v59;
	(pc) =	sbr.rel @p1 .LBB2_2-.Ltmp2, $4  }
0x8d: {  	v62 =	vmul.f32 v9, v0;
	[tilespmem:s8+$0x9460] =	vst v60  }
0x8e: {  	[tilespmem:s8+$0x9450] =	vst v61  }
0x8f: {  	[tilespmem:s8+$0x9430] =	vst v62  }
0x90: {  	[spmem:s2] =	stream.indirect.scatter.add.f32 [tilespmem:s28], [sflag:$0x4], $0x80, s7, s19, $0xb8;
	[tilespmem:$0x1E0A0] =	vst v63  }
0x91: {  	s7 =	simm.s32 $0x4DF8  }
0x92: {  	[tilespmem:s22], [sflag:$0x2] =	stream.indirect.gather [hbm4b:s0+s19], $0x20, s7, s19, $0xb8;
	[tilespmem:$0x1E0A0] =	vst v63  }
0x93: {  	s29 =	simm.s32 $0x0;
	s8 =	rddreg [dreg:$0x7]  }
0x94: {  	[tilespmem:s23], [sflag:$0x2] =	stream.linear.gather [hbm4b:s8+s29], $0x1400, $0x38;
	[tilespmem:$0x1E0A0] =	vst v63  }
0x95: {  	_ =	swait.ge [sflag:s24], $0x500  }
0x96: {  	[sflag:s24] =	ssyncset.done $0x0  }
0x97: {  	[sflag:s24] =	ssyncadd.s32 $0xFFFFFB00  }
0x98: {  	_ =	swait.ge [sflag:s24], $0x1400  }
0x99: {  	[sflag:s24] =	ssyncset.done $0x0  }
0x9a: {  	[sflag:s24] =	ssyncadd.s32 $0xFFFFEC00  }
0x9b: {  	_ =	swait.ge [sflag:s30], $0x1400  }
0x9c: {  	[sflag:s30] =	ssyncset.done $0x0  }
0x9d: {  	s7 =	simm.s32 $0x0;
	[sflag:s30] =	ssyncadd.s32 $0xFFFFEC00  }
0x9e: {  	v2 =	vld [tilespmem:s7+$0x5820]  }
0x9f: {  	v5 =	vld [tilespmem:s7+$0x5870]  }
0xa0: {  	v1 =	vld [tilespmem:s7+$0x5840]  }
0xa1: {  	s8 =	simm.s32 $0x4E30;
	v3 =	vld [tilespmem:s7+$0x5890]  }
0xa2: {  	v0 =	vld [tilespmem:s8+$0x0]  }
0xa3: {  	v4 =	vld [tilespmem:s8+$0xFFFFFFF0]  }
0xa4: {  	s9 =	simm.s32 $0x200;
	v6 =	vld [tilespmem:s7+$0x5880]  }
.LBB2_8:
0xa5: {  	p1 =	sne.s32 s9, $0x4E00  }
0xa6: {  	v7 =	vld [tilespmem:s7+$0x5860];
	s8 =	sadd.s32 $0x20, s8;
	s10 =	smov.u32 s9;
	s9 =	sadd.s32 $0x200, s9  }
0xa7: {  	v8 =	vld [tilespmem:s7+$0x5850]  }
0xa8: {  	v9 =	vld [tilespmem:s7+$0x5830];
	v5 =	vmul.f32 v5, v0;
	v10 =	vmul.f32 v3, v0  }
0xa9: {  	v2 =	vmul.f32 v2, v4;
	v3 =	vmul.f32 v1, v4  }
0xaa: {  	[tilespmem:s7+$0x8070] =	vst v5;
	v1 =	vmul.f32 v6, v4  }
0xab: {  	[tilespmem:s7+$0x8020] =	vst v2;
	v2 =	vmul.f32 v7, v4  }
0xac: {  	v4 =	vmul.f32 v8, v0;
	[tilespmem:s7+$0x8080] =	vst v1  }
0xad: {  	s10 =	sshra.s32 s10, $0x2;
	v0 =	vmul.f32 v9, v0;
	[tilespmem:s7+$0x8060] =	vst v2  }
0xae: {  	v2 =	vld [tilespmem:s10+$0x5820];
	[tilespmem:s7+$0x8050] =	vst v4  }
0xaf: {  	v5 =	vld [tilespmem:s10+$0x5870];
	[tilespmem:s7+$0x8030] =	vst v0  }
.Ltmp3:
0xb0: {  	v1 =	vld [tilespmem:s10+$0x5840];
	[tilespmem:s7+$0x8040] =	vst v3;
	(pc) =	sbr.rel @p1 .LBB2_8-.Ltmp3, $4  }
0xb1: {  	v3 =	vld [tilespmem:s10+$0x5890];
	[tilespmem:s7+$0x8090] =	vst v10;
	s7 =	smov.u32 s10  }
0xb2: {  	v0 =	vld [tilespmem:s8+$0x0]  }
0xb3: {  	v4 =	vld [tilespmem:s8+$0xFFFFFFF0]  }
0xb4: {  	v6 =	vld [tilespmem:s7+$0x5880]  }
0xb5: {  	_ = 	snop  }
0xb6: {  	v7 =	vld [tilespmem:s7+$0x5860]  }
0xb7: {  	v8 =	vld [tilespmem:s7+$0x5850];
	v5 =	vmul.f32 v5, v0  }
0xb8: {  	v9 =	vld [tilespmem:s7+$0x5830];
	v2 =	vmul.f32 v2, v4  }
0xb9: {  	v1 =	vmul.f32 v1, v4;
	[tilespmem:s7+$0x8070] =	vst v5  }
0xba: {  	v5 =	vmul.f32 v6, v4;
	[tilespmem:s7+$0x8020] =	vst v2  }
0xbb: {  	v2 =	vmul.f32 v7, v4;
	[tilespmem:s7+$0x8040] =	vst v1  }
0xbc: {  	v6 =	vmul.f32 v8, v0;
	[tilespmem:s7+$0x8080] =	vst v5  }
0xbd: {  	v5 =	vmul.f32 v9, v0;
	[tilespmem:s7+$0x8060] =	vst v2  }
0xbe: {  	v0 =	vmul.f32 v3, v0;
	[tilespmem:s7+$0x8050] =	vst v6  }
0xbf: {  	[tilespmem:s7+$0x8030] =	vst v5  }
0xc0: {  	s29 =	simm.s32 $0x26C0;
	[tilespmem:s7+$0x8090] =	vst v0  }
0xc1: {  	[spmem:s2] =	stream.indirect.scatter.add.f32 [tilespmem:s25], [sflag:$0x3], $0x80, s29, s19, $0xb8;
	[tilespmem:$0x1E0A0] =	vst v63  }
0xc2: {  	_ =	swait.ge [sflag:s26], $0x500  }
0xc3: {  	[sflag:s26] =	ssyncset.done $0x0  }
0xc4: {  	[sflag:s26] =	ssyncadd.s32 $0xFFFFFB00  }
0xc5: {  	_ =	swait.ge [sflag:s26], $0x1400  }
0xc6: {  	[sflag:s26] =	ssyncset.done $0x0  }
0xc7: {  	[sflag:s26] =	ssyncadd.s32 $0xFFFFEC00  }
0xc8: {  	_ =	swait.ge [sflag:s1], $0x1400  }
0xc9: {  	[sflag:s1] =	ssyncset.done $0x0  }
0xca: {  	s7 =	simm.s32 $0x0;
	[sflag:s1] =	ssyncadd.s32 $0xFFFFEC00  }
0xcb: {  	v2 =	vld [tilespmem:s7+$0x6C20]  }
0xcc: {  	v5 =	vld [tilespmem:s7+$0x6C70]  }
0xcd: {  	v1 =	vld [tilespmem:s7+$0x6C40]  }
0xce: {  	s8 =	simm.s32 $0x5330;
	v3 =	vld [tilespmem:s7+$0x6C90]  }
0xcf: {  	v0 =	vld [tilespmem:s8+$0x0]  }
0xd0: {  	v4 =	vld [tilespmem:s8+$0xFFFFFFF0]  }
0xd1: {  	s9 =	simm.s32 $0x200;
	v6 =	vld [tilespmem:s7+$0x6C80]  }
.LBB2_10:
0xd2: {  	p1 =	sne.s32 s9, $0x4E00  }
0xd3: {  	v7 =	vld [tilespmem:s7+$0x6C60];
	s8 =	sadd.s32 $0x20, s8;
	s10 =	smov.u32 s9;
	s9 =	sadd.s32 $0x200, s9  }
0xd4: {  	v8 =	vld [tilespmem:s7+$0x6C50]  }
0xd5: {  	v9 =	vld [tilespmem:s7+$0x6C30];
	v5 =	vmul.f32 v5, v0;
	v10 =	vmul.f32 v3, v0  }
0xd6: {  	v2 =	vmul.f32 v2, v4;
	v3 =	vmul.f32 v1, v4  }
0xd7: {  	[tilespmem:s7+$0x9470] =	vst v5;
	v1 =	vmul.f32 v6, v4  }
0xd8: {  	[tilespmem:s7+$0x9420] =	vst v2;
	v2 =	vmul.f32 v7, v4  }
0xd9: {  	v4 =	vmul.f32 v8, v0;
	[tilespmem:s7+$0x9480] =	vst v1  }
0xda: {  	s10 =	sshra.s32 s10, $0x2;
	v0 =	vmul.f32 v9, v0;
	[tilespmem:s7+$0x9460] =	vst v2  }
0xdb: {  	v2 =	vld [tilespmem:s10+$0x6C20];
	[tilespmem:s7+$0x9450] =	vst v4  }
0xdc: {  	v5 =	vld [tilespmem:s10+$0x6C70];
	[tilespmem:s7+$0x9430] =	vst v0  }
.Ltmp4:
0xdd: {  	v1 =	vld [tilespmem:s10+$0x6C40];
	[tilespmem:s7+$0x9440] =	vst v3;
	(pc) =	sbr.rel @p1 .LBB2_10-.Ltmp4, $4  }
0xde: {  	v3 =	vld [tilespmem:s10+$0x6C90];
	[tilespmem:s7+$0x9490] =	vst v10;
	s7 =	smov.u32 s10  }
0xdf: {  	v0 =	vld [tilespmem:s8+$0x0]  }
0xe0: {  	v4 =	vld [tilespmem:s8+$0xFFFFFFF0]  }
0xe1: {  	v6 =	vld [tilespmem:s7+$0x6C80]  }
0xe2: {  	_ =	sdelay $0x1  }
0xe3: {  	v7 =	vld [tilespmem:s7+$0x6C60];
	v5 =	vmul.f32 v5, v0  }
0xe4: {  	v8 =	vld [tilespmem:s7+$0x6C50];
	v63 =	vmul.f32 v3, v0  }
0xe5: {  	v9 =	vld [tilespmem:s7+$0x6C30];
	v2 =	vmul.f32 v2, v4;
	[tilespmem:s7+$0x9470] =	vst v5  }
0xe6: {  	v1 =	vmul.f32 v1, v4;
	[tilespmem:s7+$0x9490] =	vst v63  }
0xe7: {  	v59 =	vmul.f32 v6, v4;
	[tilespmem:s7+$0x9420] =	vst v2  }
0xe8: {  	v60 =	vmul.f32 v7, v4;
	[tilespmem:s7+$0x9440] =	vst v1  }
0xe9: {  	v61 =	vmul.f32 v8, v0;
	[tilespmem:s7+$0x9480] =	vst v59  }
0xea: {  	v62 =	vmul.f32 v9, v0;
	[tilespmem:s7+$0x9460] =	vst v60  }
0xeb: {  	[tilespmem:s7+$0x9450] =	vst v61  }
0xec: {  	s15 =	simm.s32 $0x26E8;
	[tilespmem:s7+$0x9430] =	vst v62  }
0xed: {  	[spmem:s2] =	stream.indirect.scatter.add.f32 [tilespmem:s28], [sflag:$0x4], $0x80, s15, s19, $0xb8;
	[tilespmem:$0x1E0A0] =	vst v63  }
0xee: {  	_ =	swait.ge [sflag:s30], $0x1400  }
0xef: {  	[sflag:s30] =	ssyncset.done $0x0  }
0xf0: {  	[sflag:s30] =	ssyncadd.s32 $0xFFFFEC00  }
0xf1: {  	_ =	swait.ge [sflag:s1], $0x1400  }
0xf2: {  	[sflag:s1] =	ssyncset.done $0x0  }
0xf3: {  	[sflag:s1] =	ssyncadd.s32 $0xFFFFEC00  }
0xf4: {  	[bflag:$0x0] =	sbarrier.arrive $0xFFFF  }
0xf5: {  	s29 =	rddreg [dreg:$0x8]  }
0xf6: {  	[hbm:s29], [sflag:s16] =	dma.local [spmem:s17], $0x2700  }
0xf7: {  	s31 =	sadd.s32 $0x1, s31;
	_ =	swait.ge [sflag:s14], $0x2700  }
0xf8: {  	p1 =	sne.s32 s31, s13;
	[sflag:s14] =	ssyncset.done $0x0  }
.Ltmp5:
0xf9: {  	s7 =	simm.s32 @!p0 $0x5;
	[sflag:s14] =	ssyncadd.s32 $0xFFFFD900;
	(pc) =	sbr.rel @p1 .LBB2_1-.Ltmp5, $4  }
0xfa: {  	[hbm:s12], [sflag:s16] =	dma.local @!p0 [spmem:s18], $0x100  }
0xfb: {  	_ =	swait.ge @!p0 [sflag:s7], $0x100  }
0xfc: {  	[sflag:s7] =	ssyncset.done @!p0 $0x0  }
0xfd: {  	[sflag:s7] =	ssyncadd.s32 @!p0 $0xFFFFFF00  }
0xfe: {  	_ =	sfence.sel $0x180000  }
0xff: {  	[bflag:$0x0] =	sbarrier.arrive $0xFFFF  }
0x100: {  	_ =	strace $0x90000047  }
0x101: {  	[bflag:$0x2] =	sbarrier.arrive $0xFFFF  }
0x102: {  	s0 =	rddreg [dreg:$0x3]  }
0x103: {  	s0 =	sadd.s32 @!p0 $0x100000, s0  }
0x104: {  	[sflag:s0] =	ssyncadd.tile.s32 @!p0 $0x1;
	_ =	shalt  }
.Lfunc_end2:
_tile_overlayer_lowered:
.L_overlay_start_2:
0x105: {  	(tag) =	ssettag $0x2  }
0x106: {  	s0 =	rddreg [dreg:$0x0];
	s2 =	stileid.u32  }
0x107: {  	s1 =	rddreg [dreg:$0x1];
	p0 =	sne.s32 s2, $0x0  }
0x108: {  	s3 =	rddreg [dreg:$0x2];
	[bflag:$0x3] =	sbarrier.arrive $0xFFFF;
	s2 =	simm.s32 @!p0 $0x1C05  }
0x109: {  	[timem:s3], [sflag:s2] =	dma.local @!p0 [hbm:s0], s1  }
0x10a: {  	s0 =	simm.s32 @!p0 $0x5  }
0x10b: {  	_ =	swait.ge @!p0 [sflag:s0], s1  }
0x10c: {  	s1 =	ssub.s32 @!p0 $0x0, s1;
	[sflag:s0] =	ssyncset.done @!p0 $0x0  }
0x10d: {  	[sflag:s0] =	ssyncadd.s32 @!p0 s1  }
0x10e: {  	[bflag:$0x3] =	sbarrier.arrive $0xFFFF  }
0x10f: {  	_ =	shalt  }

</sc_bundles>
